<compile_context>
chip_gen: v7x
topology: tpu7x:2x2x1
jax: 0.10.2.dev20260603
libtpu: 0.0.44.dev20260713+nightly
codegen_flags: <defaults>
</compile_context>

<pallas_src>
import functools

import jax
import jax.numpy as jnp
from jax import lax
from jax.experimental import pallas as pl
from jax.experimental.pallas import tpu as pltpu
from jax.experimental.pallas import tpu_sc as plsc

NC = 2
NS = 16
NW = NC * NS
L = 16

ROWS, COLS = 32768, 1024
RV = COLS // L

R_SC = 6144
ROWS_PER_W = R_SC // NW
CHUNK_ROWS = 32
NCHUNK = ROWS_PER_W // CHUNK_ROWS
NBUF = 2
NGROUP = NCHUNK // NBUF
U = 8

BR = 512
TC_ROWS = ROWS - R_SC
TC_GRID = TC_ROWS // BR


def _chunk_max(buf, accs):

    @plsc.parallel_loop(0, CHUNK_ROWS, step=1, unroll=4, carry=tuple(accs))
    def folded(i, a):
        a = list(a)
        for j in range(RV):
            a[j % U] = jnp.maximum(a[j % U], buf[i, pl.ds(j * L, L)])
        return tuple(a)

    return list(folded)


_sc_mesh = plsc.VectorSubcoreMesh(core_axis_name="c", subcore_axis_name="s")


@functools.partial(
    pl.kernel,
    mesh=_sc_mesh,
    out_type=jax.ShapeDtypeStruct((NW, L), jnp.float32),
    scratch_types=[pltpu.VMEM((CHUNK_ROWS, COLS), jnp.float32)] * NBUF
    + [pltpu.VMEM((L,), jnp.float32)]
    + [pltpu.SemaphoreType.DMA] * NBUF,
)
def _sc_partial_max(vals, out_hbm, *refs):
    bufs = refs[:NBUF]
    outv = refs[NBUF]
    sems = refs[NBUF + 1 :]
    wid = lax.axis_index("s") * NC + lax.axis_index("c")
    row0 = wid * ROWS_PER_W

    def copy(g, b):
        return pltpu.make_async_copy(
            vals.at[pl.ds(row0 + g * CHUNK_ROWS, CHUNK_ROWS)], bufs[b], sems[b]
        )

    for b in range(NBUF):
        copy(b, b).start()

    neg_inf = jnp.full((L,), -jnp.inf, dtype=jnp.float32)

    def body(gg, accs):
        accs = list(accs)
        for b in range(NBUF):
            g = gg * NBUF + b
            copy(g, b).wait()
            accs = _chunk_max(bufs[b], accs)

            @pl.when(g + NBUF < NCHUNK)
            def _():
                copy(g + NBUF, b).start()

        return tuple(accs)

    accs = list(lax.fori_loop(0, NGROUP, body, (neg_inf,) * U))
    while len(accs) > 1:
        accs = [jnp.maximum(accs[i], accs[i + 1]) for i in range(0, len(accs), 2)]
    outv[...] = accs[0]
    pltpu.sync_copy(outv, out_hbm.at[wid])


NBUF_TC = 4
U_TC = 4


def _tc_fold_chunk(buf, accs, br):
    accs = list(accs)
    for i in range(br // 8):
        accs[i % U_TC] = jnp.maximum(accs[i % U_TC], buf[pl.ds(i * 8, 8), :])
    return tuple(accs)


def _make_tc_kernel(row0, nrows, br):
    nchunk = nrows // br
    ngroup = nchunk // NBUF_TC

    def tc_kernel(x_hbm, o_ref, *refs):
        bufs = refs[:NBUF_TC]
        sems = refs[NBUF_TC:]

        def copy(g, b):
            return pltpu.make_async_copy(
                x_hbm.at[pl.ds(row0 + g * br, br)], bufs[b], sems[b]
            )

        for b in range(NBUF_TC):
            copy(b, b).start()

        def body(gg, accs):
            for b in range(NBUF_TC):
                g = gg * NBUF_TC + b
                copy(g, b).wait()
                accs = _tc_fold_chunk(bufs[b], accs, br)

                @pl.when(g + NBUF_TC < nchunk)
                def _():
                    copy(g + NBUF_TC, b).start()

            return accs

        init = jnp.full((8, COLS), -jnp.inf, dtype=jnp.float32)
        accs = list(lax.fori_loop(0, ngroup, body, (init,) * U_TC))
        while len(accs) > 1:
            accs = [
                jnp.maximum(accs[i], accs[i + 1]) for i in range(0, len(accs), 2)
            ]
        o_ref[...] = accs[0]

    return tc_kernel


def _tc_partial_max(values, row0, nrows, br):
    return pl.pallas_call(
        _make_tc_kernel(row0, nrows, br),
        in_specs=[pl.BlockSpec(memory_space=pl.ANY)],
        out_shape=jax.ShapeDtypeStruct((8, COLS), jnp.float32),
        scratch_shapes=[pltpu.VMEM((br, COLS), jnp.float32)] * NBUF_TC
        + [pltpu.SemaphoreType.DMA] * NBUF_TC,
    )(values)


def _combine_kernel(parts_ref, tc_ref, o_ref):
    o_ref[0, 0] = jnp.maximum(jnp.max(parts_ref[...]), jnp.max(tc_ref[...]))


def kernel(values, prefix_sum):
    del prefix_sum
    sc_parts = _sc_partial_max(values)
    tc_part = _tc_partial_max(values, R_SC, TC_ROWS, BR)
    combined = pl.pallas_call(
        _combine_kernel,
        out_shape=jax.ShapeDtypeStruct((1, 1), jnp.float32),
        out_specs=pl.BlockSpec(memory_space=pltpu.SMEM),
    )(sc_parts, tc_part)
    return combined[0, 0]

# --- scband reference (transcript-rebuilt; emitter-appended) ---
"""Pipeline reference for scband-jagged-max-module-84516366450842 (READ-ONLY COPY).

The authoritative reference and input builder live on the scoring server;
editing this copy changes nothing except your own understanding.
"""

import jax, jax.numpy as jnp
import numpy as np


def setup_inputs(seed: int = 0) -> dict:
    key = jax.random.key(seed)
    k1, k2 = jax.random.split(key)
    values = jax.random.normal(k1, (32768, 1024), dtype=jnp.float32)
    prefix_sum = jnp.sort(jax.random.randint(k2, (17,), 0, 32768, dtype=jnp.int32))
    return {"values": values, "prefix_sum": prefix_sum}


def reference(values, prefix_sum):
    # Faithful translation of torch.max(values): global max over all elements,
    # prefix_sum is accepted but unused (as in the original forward).
    return jnp.max(values)

if __name__ == "__main__":
    import jax
    _d = setup_inputs()
    print(jax.jit(kernel)(*tuple(_d.values())))

</pallas_src>

<mosaic_0001>
#map = affine_map<(d0, d1) -> (0, 0)>
module attributes {stable_mosaic.version = 14 : i64} {
  func.func @_sc_partial_max(%arg0: i32, %arg1: i32, %arg2: memref<32768x1024xf32, #tpu.memory_space<hbm>>, %arg3: memref<32x16xf32, #tpu.memory_space<hbm>>, %arg4: memref<32x1024xf32, #tpu.memory_space<vmem>>, %arg5: memref<32x1024xf32, #tpu.memory_space<vmem>>, %arg6: memref<16xf32, #tpu.memory_space<vmem>>, %arg7: memref<!tpu.dma_semaphore, #tpu.memory_space<semaphore_mem>>, %arg8: memref<!tpu.dma_semaphore, #tpu.memory_space<semaphore_mem>>) attributes {dimension_semantics = [#tpu.dimension_semantics<core_parallel>, #tpu.dimension_semantics<subcore_parallel>], iteration_bounds = array<i64: 2, 16>, scalar_prefetch = 0 : i64, scratch_operands = 5 : i64, tpu.core_type = #tpu.core_type<sc_vector_subcore>, window_params = [{transform_indices = #map}, {transform_indices = #map}]} {
    %mul3A = arith.constant 2 : i32
    %mul3A_0 = arith.muli %arg1, %mul3A : i32
    %add3A = arith.addi %mul3A_0, %arg0 : i32
    %mul3A_1 = arith.constant 192 : i32
    %mul3A_2 = arith.muli %add3A, %mul3A_1 : i32
    %add3A_3 = arith.constant 0 : i32
    %add3A_4 = arith.addi %mul3A_2, %add3A_3 : i32
    %dma_start3A = arith.constant 0 : i32
    %dma_start3A_5 = tpu.memref_slice %arg2[%add3A_4, %dma_start3A] : memref<32768x1024xf32, #tpu.memory_space<hbm>> -> memref<32x1024xf32, #tpu.memory_space<hbm>>
    %dma_start3A_6 = arith.constant 0 : i32
    %dma_start3A_7 = tpu.memref_slice %arg2[%add3A_4, %dma_start3A_6] : memref<32768x1024xf32, #tpu.memory_space<hbm>> -> memref<32x1024xf32, #tpu.memory_space<hbm>>
    tpu.enqueue_dma source(%dma_start3A_7 : memref<32x1024xf32, #tpu.memory_space<hbm>>) target(%arg4 : memref<32x1024xf32, #tpu.memory_space<vmem>>) target_semaphore(%arg7 : memref<!tpu.dma_semaphore, #tpu.memory_space<semaphore_mem>>)
    %add3A_8 = arith.constant 32 : i32
    %add3A_9 = arith.addi %mul3A_2, %add3A_8 : i32
    %dma_start3A_10 = arith.constant 0 : i32
    %dma_start3A_11 = tpu.memref_slice %arg2[%add3A_9, %dma_start3A_10] : memref<32768x1024xf32, #tpu.memory_space<hbm>> -> memref<32x1024xf32, #tpu.memory_space<hbm>>
    %dma_start3A_12 = arith.constant 0 : i32
    %dma_start3A_13 = tpu.memref_slice %arg2[%add3A_9, %dma_start3A_12] : memref<32768x1024xf32, #tpu.memory_space<hbm>> -> memref<32x1024xf32, #tpu.memory_space<hbm>>
    tpu.enqueue_dma source(%dma_start3A_13 : memref<32x1024xf32, #tpu.memory_space<hbm>>) target(%arg5 : memref<32x1024xf32, #tpu.memory_space<vmem>>) target_semaphore(%arg8 : memref<!tpu.dma_semaphore, #tpu.memory_space<semaphore_mem>>)
    %broadcast_in_dim3A = arith.constant 0xFF800000 : f32
    %broadcast_in_dim3A_14 = vector.broadcast %broadcast_in_dim3A : f32 to vector<16xf32>
    %scan3A = arith.constant 0 : i32
    %scan3A_15 = arith.constant 3 : i32
    %scan3A_16 = arith.addi %scan3A, %scan3A_15 : i32
    %scan3A_17 = arith.constant 1 : i32
    %scan3A_18:8 = scf.for %scan3A_29 = %scan3A to %scan3A_16 step %scan3A_17 iter_args(%scan3A_30 = %broadcast_in_dim3A_14, %scan3A_31 = %broadcast_in_dim3A_14, %scan3A_32 = %broadcast_in_dim3A_14, %scan3A_33 = %broadcast_in_dim3A_14, %scan3A_34 = %broadcast_in_dim3A_14, %scan3A_35 = %broadcast_in_dim3A_14, %scan3A_36 = %broadcast_in_dim3A_14, %scan3A_37 = %broadcast_in_dim3A_14) -> (vector<16xf32>, vector<16xf32>, vector<16xf32>, vector<16xf32>, vector<16xf32>, vector<16xf32>, vector<16xf32>, vector<16xf32>)  : i32 {
      %mul3A_38 = arith.constant 2 : i32
      %mul3A_39 = arith.muli %scan3A_29, %mul3A_38 : i32
      %add3A_40 = arith.constant 0 : i32
      %add3A_41 = arith.addi %mul3A_39, %add3A_40 : i32
      %mul3A_42 = arith.constant 32 : i32
      %mul3A_43 = arith.muli %add3A_41, %mul3A_42 : i32
      %add3A_44 = arith.addi %mul3A_2, %mul3A_43 : i32
      %dma_wait3A = arith.constant 0 : i32
      %dma_wait3A_45 = tpu.memref_slice %arg2[%add3A_44, %dma_wait3A] : memref<32768x1024xf32, #tpu.memory_space<hbm>> -> memref<32x1024xf32, #tpu.memory_space<hbm>>
      %dma_wait3A_46 = arith.constant 0 : i32
      %dma_wait3A_47 = tpu.memref_slice %arg2[%add3A_44, %dma_wait3A_46] : memref<32768x1024xf32, #tpu.memory_space<hbm>> -> memref<32x1024xf32, #tpu.memory_space<hbm>>
      tpu.wait_dma2 semaphore(%arg7 : memref<!tpu.dma_semaphore, #tpu.memory_space<semaphore_mem>>) src(%dma_wait3A_47 : memref<32x1024xf32, #tpu.memory_space<hbm>>) dst(%arg4 : memref<32x1024xf32, #tpu.memory_space<vmem>>)
      %parallel_loop3A = arith.constant 0 : i32
      %parallel_loop3A_48 = arith.constant 32 : i32
      %parallel_loop3A_49 = arith.constant 1 : i32
      %parallel_loop3A_50:8 = scf.for %parallel_loop3A_77 = %parallel_loop3A to %parallel_loop3A_48 step %parallel_loop3A_49 iter_args(%parallel_loop3A_78 = %scan3A_30, %parallel_loop3A_79 = %scan3A_31, %parallel_loop3A_80 = %scan3A_32, %parallel_loop3A_81 = %scan3A_33, %parallel_loop3A_82 = %scan3A_34, %parallel_loop3A_83 = %scan3A_35, %parallel_loop3A_84 = %scan3A_36, %parallel_loop3A_85 = %scan3A_37) -> (vector<16xf32>, vector<16xf32>, vector<16xf32>, vector<16xf32>, vector<16xf32>, vector<16xf32>, vector<16xf32>, vector<16xf32>)  : i32 {
        %parallel_loop3A_86 = arith.index_cast %parallel_loop3A_77 : i32 to index
        %parallel_loop3A_87 = arith.constant 0 : index
        %parallel_loop3A_88 = tpu.vector_load %arg4[%parallel_loop3A_86, %parallel_loop3A_87] {strides = array<i32>} : memref<32x1024xf32, #tpu.memory_space<vmem>>, vector<1x16xf32>,
        %parallel_loop3A_89 = vector.shape_cast %parallel_loop3A_88 : vector<1x16xf32> to vector<16xf32>
        %parallel_loop3A_90 = arith.maximumf %parallel_loop3A_78, %parallel_loop3A_89 : vector<16xf32>
        %parallel_loop3A_91 = arith.index_cast %parallel_loop3A_77 : i32 to index
        %parallel_loop3A_92 = arith.constant 16 : index
        %parallel_loop3A_93 = tpu.vector_load %arg4[%parallel_loop3A_91, %parallel_loop3A_92] {strides = array<i32>} : memref<32x1024xf32, #tpu.memory_space<vmem>>, vector<1x16xf32>,
        %parallel_loop3A_94 = vector.shape_cast %parallel_loop3A_93 : vector<1x16xf32> to vector<16xf32>
        %parallel_loop3A_95 = arith.maximumf %parallel_loop3A_79, %parallel_loop3A_94 : vector<16xf32>
        %parallel_loop3A_96 = arith.index_cast %parallel_loop3A_77 : i32 to index
        %parallel_loop3A_97 = arith.constant 32 : index
        %parallel_loop3A_98 = tpu.vector_load %arg4[%parallel_loop3A_96, %parallel_loop3A_97] {strides = array<i32>} : memref<32x1024xf32, #tpu.memory_space<vmem>>, vector<1x16xf32>,
        %parallel_loop3A_99 = vector.shape_cast %parallel_loop3A_98 : vector<1x16xf32> to vector<16xf32>
        %parallel_loop3A_100 = arith.maximumf %parallel_loop3A_80, %parallel_loop3A_99 : vector<16xf32>
        %parallel_loop3A_101 = arith.index_cast %parallel_loop3A_77 : i32 to index
        %parallel_loop3A_102 = arith.constant 48 : index
        %parallel_loop3A_103 = tpu.vector_load %arg4[%parallel_loop3A_101, %parallel_loop3A_102] {strides = array<i32>} : memref<32x1024xf32, #tpu.memory_space<vmem>>, vector<1x16xf32>,
        %parallel_loop3A_104 = vector.shape_cast %parallel_loop3A_103 : vector<1x16xf32> to vector<16xf32>
        %parallel_loop3A_105 = arith.maximumf %parallel_loop3A_81, %parallel_loop3A_104 : vector<16xf32>
        %parallel_loop3A_106 = arith.index_cast %parallel_loop3A_77 : i32 to index
        %parallel_loop3A_107 = arith.constant 64 : index
        %parallel_loop3A_108 = tpu.vector_load %arg4[%parallel_loop3A_106, %parallel_loop3A_107] {strides = array<i32>} : memref<32x1024xf32, #tpu.memory_space<vmem>>, vector<1x16xf32>,
        %parallel_loop3A_109 = vector.shape_cast %parallel_loop3A_108 : vector<1x16xf32> to vector<16xf32>
        %parallel_loop3A_110 = arith.maximumf %parallel_loop3A_82, %parallel_loop3A_109 : vector<16xf32>
        %parallel_loop3A_111 = arith.index_cast %parallel_loop3A_77 : i32 to index
        %parallel_loop3A_112 = arith.constant 80 : index
        %parallel_loop3A_113 = tpu.vector_load %arg4[%parallel_loop3A_111, %parallel_loop3A_112] {strides = array<i32>} : memref<32x1024xf32, #tpu.memory_space<vmem>>, vector<1x16xf32>,
        %parallel_loop3A_114 = vector.shape_cast %parallel_loop3A_113 : vector<1x16xf32> to vector<16xf32>
        %parallel_loop3A_115 = arith.maximumf %parallel_loop3A_83, %parallel_loop3A_114 : vector<16xf32>
        %parallel_loop3A_116 = arith.index_cast %parallel_loop3A_77 : i32 to index
        %parallel_loop3A_117 = arith.constant 96 : index
        %parallel_loop3A_118 = tpu.vector_load %arg4[%parallel_loop3A_116, %parallel_loop3A_117] {strides = array<i32>} : memref<32x1024xf32, #tpu.memory_space<vmem>>, vector<1x16xf32>,
        %parallel_loop3A_119 = vector.shape_cast %parallel_loop3A_118 : vector<1x16xf32> to vector<16xf32>
        %parallel_loop3A_120 = arith.maximumf %parallel_loop3A_84, %parallel_loop3A_119 : vector<16xf32>
        %parallel_loop3A_121 = arith.index_cast %parallel_loop3A_77 : i32 to index
        %parallel_loop3A_122 = arith.constant 112 : index
        %parallel_loop3A_123 = tpu.vector_load %arg4[%parallel_loop3A_121, %parallel_loop3A_122] {strides = array<i32>} : memref<32x1024xf32, #tpu.memory_space<vmem>>, vector<1x16xf32>,
        %parallel_loop3A_124 = vector.shape_cast %parallel_loop3A_123 : vector<1x16xf32> to vector<16xf32>
        %parallel_loop3A_125 = arith.maximumf %parallel_loop3A_85, %parallel_loop3A_124 : vector<16xf32>
        %parallel_loop3A_126 = arith.index_cast %parallel_loop3A_77 : i32 to index
        %parallel_loop3A_127 = arith.constant 128 : index
        %parallel_loop3A_128 = tpu.vector_load %arg4[%parallel_loop3A_126, %parallel_loop3A_127] {strides = array<i32>} : memref<32x1024xf32, #tpu.memory_space<vmem>>, vector<1x16xf32>,
        %parallel_loop3A_129 = vector.shape_cast %parallel_loop3A_128 : vector<1x16xf32> to vector<16xf32>
        %parallel_loop3A_130 = arith.maximumf %parallel_loop3A_90, %parallel_loop3A_129 : vector<16xf32>
        %parallel_loop3A_131 = arith.index_cast %parallel_loop3A_77 : i32 to index
        %parallel_loop3A_132 = arith.constant 144 : index
        %parallel_loop3A_133 = tpu.vector_load %arg4[%parallel_loop3A_131, %parallel_loop3A_132] {strides = array<i32>} : memref<32x1024xf32, #tpu.memory_space<vmem>>, vector<1x16xf32>,
        %parallel_loop3A_134 = vector.shape_cast %parallel_loop3A_133 : vector<1x16xf32> to vector<16xf32>
        %parallel_loop3A_135 = arith.maximumf %parallel_loop3A_95, %parallel_loop3A_134 : vector<16xf32>
        %parallel_loop3A_136 = arith.index_cast %parallel_loop3A_77 : i32 to index
        %parallel_loop3A_137 = arith.constant 160 : index
        %parallel_loop3A_138 = tpu.vector_load %arg4[%parallel_loop3A_136, %parallel_loop3A_137] {strides = array<i32>} : memref<32x1024xf32, #tpu.memory_space<vmem>>, vector<1x16xf32>,
        %parallel_loop3A_139 = vector.shape_cast %parallel_loop3A_138 : vector<1x16xf32> to vector<16xf32>
        %parallel_loop3A_140 = arith.maximumf %parallel_loop3A_100, %parallel_loop3A_139 : vector<16xf32>
        %parallel_loop3A_141 = arith.index_cast %parallel_loop3A_77 : i32 to index
        %parallel_loop3A_142 = arith.constant 176 : index
        %parallel_loop3A_143 = tpu.vector_load %arg4[%parallel_loop3A_141, %parallel_loop3A_142] {strides = array<i32>} : memref<32x1024xf32, #tpu.memory_space<vmem>>, vector<1x16xf32>,
        %parallel_loop3A_144 = vector.shape_cast %parallel_loop3A_143 : vector<1x16xf32> to vector<16xf32>
        %parallel_loop3A_145 = arith.maximumf %parallel_loop3A_105, %parallel_loop3A_144 : vector<16xf32>
        %parallel_loop3A_146 = arith.index_cast %parallel_loop3A_77 : i32 to index
        %parallel_loop3A_147 = arith.constant 192 : index
        %parallel_loop3A_148 = tpu.vector_load %arg4[%parallel_loop3A_146, %parallel_loop3A_147] {strides = array<i32>} : memref<32x1024xf32, #tpu.memory_space<vmem>>, vector<1x16xf32>,
        %parallel_loop3A_149 = vector.shape_cast %parallel_loop3A_148 : vector<1x16xf32> to vector<16xf32>
        %parallel_loop3A_150 = arith.maximumf %parallel_loop3A_110, %parallel_loop3A_149 : vector<16xf32>
        %parallel_loop3A_151 = arith.index_cast %parallel_loop3A_77 : i32 to index
        %parallel_loop3A_152 = arith.constant 208 : index
        %parallel_loop3A_153 = tpu.vector_load %arg4[%parallel_loop3A_151, %parallel_loop3A_152] {strides = array<i32>} : memref<32x1024xf32, #tpu.memory_space<vmem>>, vector<1x16xf32>,
        %parallel_loop3A_154 = vector.shape_cast %parallel_loop3A_153 : vector<1x16xf32> to vector<16xf32>
        %parallel_loop3A_155 = arith.maximumf %parallel_loop3A_115, %parallel_loop3A_154 : vector<16xf32>
        %parallel_loop3A_156 = arith.index_cast %parallel_loop3A_77 : i32 to index
        %parallel_loop3A_157 = arith.constant 224 : index
        %parallel_loop3A_158 = tpu.vector_load %arg4[%parallel_loop3A_156, %parallel_loop3A_157] {strides = array<i32>} : memref<32x1024xf32, #tpu.memory_space<vmem>>, vector<1x16xf32>,
        %parallel_loop3A_159 = vector.shape_cast %parallel_loop3A_158 : vector<1x16xf32> to vector<16xf32>
        %parallel_loop3A_160 = arith.maximumf %parallel_loop3A_120, %parallel_loop3A_159 : vector<16xf32>
        %parallel_loop3A_161 = arith.index_cast %parallel_loop3A_77 : i32 to index
        %parallel_loop3A_162 = arith.constant 240 : index
        %parallel_loop3A_163 = tpu.vector_load %arg4[%parallel_loop3A_161, %parallel_loop3A_162] {strides = array<i32>} : memref<32x1024xf32, #tpu.memory_space<vmem>>, vector<1x16xf32>,
        %parallel_loop3A_164 = vector.shape_cast %parallel_loop3A_163 : vector<1x16xf32> to vector<16xf32>
        %parallel_loop3A_165 = arith.maximumf %parallel_loop3A_125, %parallel_loop3A_164 : vector<16xf32>
        %parallel_loop3A_166 = arith.index_cast %parallel_loop3A_77 : i32 to index
        %parallel_loop3A_167 = arith.constant 256 : index
        %parallel_loop3A_168 = tpu.vector_load %arg4[%parallel_loop3A_166, %parallel_loop3A_167] {strides = array<i32>} : memref<32x1024xf32, #tpu.memory_space<vmem>>, vector<1x16xf32>,
        %parallel_loop3A_169 = vector.shape_cast %parallel_loop3A_168 : vector<1x16xf32> to vector<16xf32>
        %parallel_loop3A_170 = arith.maximumf %parallel_loop3A_130, %parallel_loop3A_169 : vector<16xf32>
        %parallel_loop3A_171 = arith.index_cast %parallel_loop3A_77 : i32 to index
        %parallel_loop3A_172 = arith.constant 272 : index
        %parallel_loop3A_173 = tpu.vector_load %arg4[%parallel_loop3A_171, %parallel_loop3A_172] {strides = array<i32>} : memref<32x1024xf32, #tpu.memory_space<vmem>>, vector<1x16xf32>,
        %parallel_loop3A_174 = vector.shape_cast %parallel_loop3A_173 : vector<1x16xf32> to vector<16xf32>
        %parallel_loop3A_175 = arith.maximumf %parallel_loop3A_135, %parallel_loop3A_174 : vector<16xf32>
        %parallel_loop3A_176 = arith.index_cast %parallel_loop3A_77 : i32 to index
        %parallel_loop3A_177 = arith.constant 288 : index
        %parallel_loop3A_178 = tpu.vector_load %arg4[%parallel_loop3A_176, %parallel_loop3A_177] {strides = array<i32>} : memref<32x1024xf32, #tpu.memory_space<vmem>>, vector<1x16xf32>,
        %parallel_loop3A_179 = vector.shape_cast %parallel_loop3A_178 : vector<1x16xf32> to vector<16xf32>
        %parallel_loop3A_180 = arith.maximumf %parallel_loop3A_140, %parallel_loop3A_179 : vector<16xf32>
        %parallel_loop3A_181 = arith.index_cast %parallel_loop3A_77 : i32 to index
        %parallel_loop3A_182 = arith.constant 304 : index
        %parallel_loop3A_183 = tpu.vector_load %arg4[%parallel_loop3A_181, %parallel_loop3A_182] {strides = array<i32>} : memref<32x1024xf32, #tpu.memory_space<vmem>>, vector<1x16xf32>,
        %parallel_loop3A_184 = vector.shape_cast %parallel_loop3A_183 : vector<1x16xf32> to vector<16xf32>
        %parallel_loop3A_185 = arith.maximumf %parallel_loop3A_145, %parallel_loop3A_184 : vector<16xf32>
        %parallel_loop3A_186 = arith.index_cast %parallel_loop3A_77 : i32 to index
        %parallel_loop3A_187 = arith.constant 320 : index
        %parallel_loop3A_188 = tpu.vector_load %arg4[%parallel_loop3A_186, %parallel_loop3A_187] {strides = array<i32>} : memref<32x1024xf32, #tpu.memory_space<vmem>>, vector<1x16xf32>,
        %parallel_loop3A_189 = vector.shape_cast %parallel_loop3A_188 : vector<1x16xf32> to vector<16xf32>
        %parallel_loop3A_190 = arith.maximumf %parallel_loop3A_150, %parallel_loop3A_189 : vector<16xf32>
        %parallel_loop3A_191 = arith.index_cast %parallel_loop3A_77 : i32 to index
        %parallel_loop3A_192 = arith.constant 336 : index
        %parallel_loop3A_193 = tpu.vector_load %arg4[%parallel_loop3A_191, %parallel_loop3A_192] {strides = array<i32>} : memref<32x1024xf32, #tpu.memory_space<vmem>>, vector<1x16xf32>,
        %parallel_loop3A_194 = vector.shape_cast %parallel_loop3A_193 : vector<1x16xf32> to vector<16xf32>
        %parallel_loop3A_195 = arith.maximumf %parallel_loop3A_155, %parallel_loop3A_194 : vector<16xf32>
        %parallel_loop3A_196 = arith.index_cast %parallel_loop3A_77 : i32 to index
        %parallel_loop3A_197 = arith.constant 352 : index
        %parallel_loop3A_198 = tpu.vector_load %arg4[%parallel_loop3A_196, %parallel_loop3A_197] {strides = array<i32>} : memref<32x1024xf32, #tpu.memory_space<vmem>>, vector<1x16xf32>,
        %parallel_loop3A_199 = vector.shape_cast %parallel_loop3A_198 : vector<1x16xf32> to vector<16xf32>
        %parallel_loop3A_200 = arith.maximumf %parallel_loop3A_160, %parallel_loop3A_199 : vector<16xf32>
        %parallel_loop3A_201 = arith.index_cast %parallel_loop3A_77 : i32 to index
        %parallel_loop3A_202 = arith.constant 368 : index
        %parallel_loop3A_203 = tpu.vector_load %arg4[%parallel_loop3A_201, %parallel_loop3A_202] {strides = array<i32>} : memref<32x1024xf32, #tpu.memory_space<vmem>>, vector<1x16xf32>,
        %parallel_loop3A_204 = vector.shape_cast %parallel_loop3A_203 : vector<1x16xf32> to vector<16xf32>
        %parallel_loop3A_205 = arith.maximumf %parallel_loop3A_165, %parallel_loop3A_204 : vector<16xf32>
        %parallel_loop3A_206 = arith.index_cast %parallel_loop3A_77 : i32 to index
        %parallel_loop3A_207 = arith.constant 384 : index
        %parallel_loop3A_208 = tpu.vector_load %arg4[%parallel_loop3A_206, %parallel_loop3A_207] {strides = array<i32>} : memref<32x1024xf32, #tpu.memory_space<vmem>>, vector<1x16xf32>,
        %parallel_loop3A_209 = vector.shape_cast %parallel_loop3A_208 : vector<1x16xf32> to vector<16xf32>
        %parallel_loop3A_210 = arith.maximumf %parallel_loop3A_170, %parallel_loop3A_209 : vector<16xf32>
        %parallel_loop3A_211 = arith.index_cast %parallel_loop3A_77 : i32 to index
        %parallel_loop3A_212 = arith.constant 400 : index
        %parallel_loop3A_213 = tpu.vector_load %arg4[%parallel_loop3A_211, %parallel_loop3A_212] {strides = array<i32>} : memref<32x1024xf32, #tpu.memory_space<vmem>>, vector<1x16xf32>,
        %parallel_loop3A_214 = vector.shape_cast %parallel_loop3A_213 : vector<1x16xf32> to vector<16xf32>
        %parallel_loop3A_215 = arith.maximumf %parallel_loop3A_175, %parallel_loop3A_214 : vector<16xf32>
        %parallel_loop3A_216 = arith.index_cast %parallel_loop3A_77 : i32 to index
        %parallel_loop3A_217 = arith.constant 416 : index
        %parallel_loop3A_218 = tpu.vector_load %arg4[%parallel_loop3A_216, %parallel_loop3A_217] {strides = array<i32>} : memref<32x1024xf32, #tpu.memory_space<vmem>>, vector<1x16xf32>,
        %parallel_loop3A_219 = vector.shape_cast %parallel_loop3A_218 : vector<1x16xf32> to vector<16xf32>
        %parallel_loop3A_220 = arith.maximumf %parallel_loop3A_180, %parallel_loop3A_219 : vector<16xf32>
        %parallel_loop3A_221 = arith.index_cast %parallel_loop3A_77 : i32 to index
        %parallel_loop3A_222 = arith.constant 432 : index
        %parallel_loop3A_223 = tpu.vector_load %arg4[%parallel_loop3A_221, %parallel_loop3A_222] {strides = array<i32>} : memref<32x1024xf32, #tpu.memory_space<vmem>>, vector<1x16xf32>,
        %parallel_loop3A_224 = vector.shape_cast %parallel_loop3A_223 : vector<1x16xf32> to vector<16xf32>
        %parallel_loop3A_225 = arith.maximumf %parallel_loop3A_185, %parallel_loop3A_224 : vector<16xf32>
        %parallel_loop3A_226 = arith.index_cast %parallel_loop3A_77 : i32 to index
        %parallel_loop3A_227 = arith.constant 448 : index
        %parallel_loop3A_228 = tpu.vector_load %arg4[%parallel_loop3A_226, %parallel_loop3A_227] {strides = array<i32>} : memref<32x1024xf32, #tpu.memory_space<vmem>>, vector<1x16xf32>,
        %parallel_loop3A_229 = vector.shape_cast %parallel_loop3A_228 : vector<1x16xf32> to vector<16xf32>
        %parallel_loop3A_230 = arith.maximumf %parallel_loop3A_190, %parallel_loop3A_229 : vector<16xf32>
        %parallel_loop3A_231 = arith.index_cast %parallel_loop3A_77 : i32 to index
        %parallel_loop3A_232 = arith.constant 464 : index
        %parallel_loop3A_233 = tpu.vector_load %arg4[%parallel_loop3A_231, %parallel_loop3A_232] {strides = array<i32>} : memref<32x1024xf32, #tpu.memory_space<vmem>>, vector<1x16xf32>,
        %parallel_loop3A_234 = vector.shape_cast %parallel_loop3A_233 : vector<1x16xf32> to vector<16xf32>
        %parallel_loop3A_235 = arith.maximumf %parallel_loop3A_195, %parallel_loop3A_234 : vector<16xf32>
        %parallel_loop3A_236 = arith.index_cast %parallel_loop3A_77 : i32 to index
        %parallel_loop3A_237 = arith.constant 480 : index
        %parallel_loop3A_238 = tpu.vector_load %arg4[%parallel_loop3A_236, %parallel_loop3A_237] {strides = array<i32>} : memref<32x1024xf32, #tpu.memory_space<vmem>>, vector<1x16xf32>,
        %parallel_loop3A_239 = vector.shape_cast %parallel_loop3A_238 : vector<1x16xf32> to vector<16xf32>
        %parallel_loop3A_240 = arith.maximumf %parallel_loop3A_200, %parallel_loop3A_239 : vector<16xf32>
        %parallel_loop3A_241 = arith.index_cast %parallel_loop3A_77 : i32 to index
        %parallel_loop3A_242 = arith.constant 496 : index
        %parallel_loop3A_243 = tpu.vector_load %arg4[%parallel_loop3A_241, %parallel_loop3A_242] {strides = array<i32>} : memref<32x1024xf32, #tpu.memory_space<vmem>>, vector<1x16xf32>,
        %parallel_loop3A_244 = vector.shape_cast %parallel_loop3A_243 : vector<1x16xf32> to vector<16xf32>
        %parallel_loop3A_245 = arith.maximumf %parallel_loop3A_205, %parallel_loop3A_244 : vector<16xf32>
        %parallel_loop3A_246 = arith.index_cast %parallel_loop3A_77 : i32 to index
        %parallel_loop3A_247 = arith.constant 512 : index
        %parallel_loop3A_248 = tpu.vector_load %arg4[%parallel_loop3A_246, %parallel_loop3A_247] {strides = array<i32>} : memref<32x1024xf32, #tpu.memory_space<vmem>>, vector<1x16xf32>,
        %parallel_loop3A_249 = vector.shape_cast %parallel_loop3A_248 : vector<1x16xf32> to vector<16xf32>
        %parallel_loop3A_250 = arith.maximumf %parallel_loop3A_210, %parallel_loop3A_249 : vector<16xf32>
        %parallel_loop3A_251 = arith.index_cast %parallel_loop3A_77 : i32 to index
        %parallel_loop3A_252 = arith.constant 528 : index
        %parallel_loop3A_253 = tpu.vector_load %arg4[%parallel_loop3A_251, %parallel_loop3A_252] {strides = array<i32>} : memref<32x1024xf32, #tpu.memory_space<vmem>>, vector<1x16xf32>,
        %parallel_loop3A_254 = vector.shape_cast %parallel_loop3A_253 : vector<1x16xf32> to vector<16xf32>
        %parallel_loop3A_255 = arith.maximumf %parallel_loop3A_215, %parallel_loop3A_254 : vector<16xf32>
        %parallel_loop3A_256 = arith.index_cast %parallel_loop3A_77 : i32 to index
        %parallel_loop3A_257 = arith.constant 544 : index
        %parallel_loop3A_258 = tpu.vector_load %arg4[%parallel_loop3A_256, %parallel_loop3A_257] {strides = array<i32>} : memref<32x1024xf32, #tpu.memory_space<vmem>>, vector<1x16xf32>,
        %parallel_loop3A_259 = vector.shape_cast %parallel_loop3A_258 : vector<1x16xf32> to vector<16xf32>
        %parallel_loop3A_260 = arith.maximumf %parallel_loop3A_220, %parallel_loop3A_259 : vector<16xf32>
        %parallel_loop3A_261 = arith.index_cast %parallel_loop3A_77 : i32 to index
        %parallel_loop3A_262 = arith.constant 560 : index
        %parallel_loop3A_263 = tpu.vector_load %arg4[%parallel_loop3A_261, %parallel_loop3A_262] {strides = array<i32>} : memref<32x1024xf32, #tpu.memory_space<vmem>>, vector<1x16xf32>,
        %parallel_loop3A_264 = vector.shape_cast %parallel_loop3A_263 : vector<1x16xf32> to vector<16xf32>
        %parallel_loop3A_265 = arith.maximumf %parallel_loop3A_225, %parallel_loop3A_264 : vector<16xf32>
        %parallel_loop3A_266 = arith.index_cast %parallel_loop3A_77 : i32 to index
        %parallel_loop3A_267 = arith.constant 576 : index
        %parallel_loop3A_268 = tpu.vector_load %arg4[%parallel_loop3A_266, %parallel_loop3A_267] {strides = array<i32>} : memref<32x1024xf32, #tpu.memory_space<vmem>>, vector<1x16xf32>,
        %parallel_loop3A_269 = vector.shape_cast %parallel_loop3A_268 : vector<1x16xf32> to vector<16xf32>
        %parallel_loop3A_270 = arith.maximumf %parallel_loop3A_230, %parallel_loop3A_269 : vector<16xf32>
        %parallel_loop3A_271 = arith.index_cast %parallel_loop3A_77 : i32 to index
        %parallel_loop3A_272 = arith.constant 592 : index
        %parallel_loop3A_273 = tpu.vector_load %arg4[%parallel_loop3A_271, %parallel_loop3A_272] {strides = array<i32>} : memref<32x1024xf32, #tpu.memory_space<vmem>>, vector<1x16xf32>,
        %parallel_loop3A_274 = vector.shape_cast %parallel_loop3A_273 : vector<1x16xf32> to vector<16xf32>
        %parallel_loop3A_275 = arith.maximumf %parallel_loop3A_235, %parallel_loop3A_274 : vector<16xf32>
        %parallel_loop3A_276 = arith.index_cast %parallel_loop3A_77 : i32 to index
        %parallel_loop3A_277 = arith.constant 608 : index
        %parallel_loop3A_278 = tpu.vector_load %arg4[%parallel_loop3A_276, %parallel_loop3A_277] {strides = array<i32>} : memref<32x1024xf32, #tpu.memory_space<vmem>>, vector<1x16xf32>,
        %parallel_loop3A_279 = vector.shape_cast %parallel_loop3A_278 : vector<1x16xf32> to vector<16xf32>
        %parallel_loop3A_280 = arith.maximumf %parallel_loop3A_240, %parallel_loop3A_279 : vector<16xf32>
        %parallel_loop3A_281 = arith.index_cast %parallel_loop3A_77 : i32 to index
        %parallel_loop3A_282 = arith.constant 624 : index
        %parallel_loop3A_283 = tpu.vector_load %arg4[%parallel_loop3A_281, %parallel_loop3A_282] {strides = array<i32>} : memref<32x1024xf32, #tpu.memory_space<vmem>>, vector<1x16xf32>,
        %parallel_loop3A_284 = vector.shape_cast %parallel_loop3A_283 : vector<1x16xf32> to vector<16xf32>
        %parallel_loop3A_285 = arith.maximumf %parallel_loop3A_245, %parallel_loop3A_284 : vector<16xf32>
        %parallel_loop3A_286 = arith.index_cast %parallel_loop3A_77 : i32 to index
        %parallel_loop3A_287 = arith.constant 640 : index
        %parallel_loop3A_288 = tpu.vector_load %arg4[%parallel_loop3A_286, %parallel_loop3A_287] {strides = array<i32>} : memref<32x1024xf32, #tpu.memory_space<vmem>>, vector<1x16xf32>,
        %parallel_loop3A_289 = vector.shape_cast %parallel_loop3A_288 : vector<1x16xf32> to vector<16xf32>
        %parallel_loop3A_290 = arith.maximumf %parallel_loop3A_250, %parallel_loop3A_289 : vector<16xf32>
        %parallel_loop3A_291 = arith.index_cast %parallel_loop3A_77 : i32 to index
        %parallel_loop3A_292 = arith.constant 656 : index
        %parallel_loop3A_293 = tpu.vector_load %arg4[%parallel_loop3A_291, %parallel_loop3A_292] {strides = array<i32>} : memref<32x1024xf32, #tpu.memory_space<vmem>>, vector<1x16xf32>,
        %parallel_loop3A_294 = vector.shape_cast %parallel_loop3A_293 : vector<1x16xf32> to vector<16xf32>
        %parallel_loop3A_295 = arith.maximumf %parallel_loop3A_255, %parallel_loop3A_294 : vector<16xf32>
        %parallel_loop3A_296 = arith.index_cast %parallel_loop3A_77 : i32 to index
        %parallel_loop3A_297 = arith.constant 672 : index
        %parallel_loop3A_298 = tpu.vector_load %arg4[%parallel_loop3A_296, %parallel_loop3A_297] {strides = array<i32>} : memref<32x1024xf32, #tpu.memory_space<vmem>>, vector<1x16xf32>,
        %parallel_loop3A_299 = vector.shape_cast %parallel_loop3A_298 : vector<1x16xf32> to vector<16xf32>
        %parallel_loop3A_300 = arith.maximumf %parallel_loop3A_260, %parallel_loop3A_299 : vector<16xf32>
        %parallel_loop3A_301 = arith.index_cast %parallel_loop3A_77 : i32 to index
        %parallel_loop3A_302 = arith.constant 688 : index
        %parallel_loop3A_303 = tpu.vector_load %arg4[%parallel_loop3A_301, %parallel_loop3A_302] {strides = array<i32>} : memref<32x1024xf32, #tpu.memory_space<vmem>>, vector<1x16xf32>,
        %parallel_loop3A_304 = vector.shape_cast %parallel_loop3A_303 : vector<1x16xf32> to vector<16xf32>
        %parallel_loop3A_305 = arith.maximumf %parallel_loop3A_265, %parallel_loop3A_304 : vector<16xf32>
        %parallel_loop3A_306 = arith.index_cast %parallel_loop3A_77 : i32 to index
        %parallel_loop3A_307 = arith.constant 704 : index
        %parallel_loop3A_308 = tpu.vector_load %arg4[%parallel_loop3A_306, %parallel_loop3A_307] {strides = array<i32>} : memref<32x1024xf32, #tpu.memory_space<vmem>>, vector<1x16xf32>,
        %parallel_loop3A_309 = vector.shape_cast %parallel_loop3A_308 : vector<1x16xf32> to vector<16xf32>
        %parallel_loop3A_310 = arith.maximumf %parallel_loop3A_270, %parallel_loop3A_309 : vector<16xf32>
        %parallel_loop3A_311 = arith.index_cast %parallel_loop3A_77 : i32 to index
        %parallel_loop3A_312 = arith.constant 720 : index
        %parallel_loop3A_313 = tpu.vector_load %arg4[%parallel_loop3A_311, %parallel_loop3A_312] {strides = array<i32>} : memref<32x1024xf32, #tpu.memory_space<vmem>>, vector<1x16xf32>,
        %parallel_loop3A_314 = vector.shape_cast %parallel_loop3A_313 : vector<1x16xf32> to vector<16xf32>
        %parallel_loop3A_315 = arith.maximumf %parallel_loop3A_275, %parallel_loop3A_314 : vector<16xf32>
        %parallel_loop3A_316 = arith.index_cast %parallel_loop3A_77 : i32 to index
        %parallel_loop3A_317 = arith.constant 736 : index
        %parallel_loop3A_318 = tpu.vector_load %arg4[%parallel_loop3A_316, %parallel_loop3A_317] {strides = array<i32>} : memref<32x1024xf32, #tpu.memory_space<vmem>>, vector<1x16xf32>,
        %parallel_loop3A_319 = vector.shape_cast %parallel_loop3A_318 : vector<1x16xf32> to vector<16xf32>
        %parallel_loop3A_320 = arith.maximumf %parallel_loop3A_280, %parallel_loop3A_319 : vector<16xf32>
        %parallel_loop3A_321 = arith.index_cast %parallel_loop3A_77 : i32 to index
        %parallel_loop3A_322 = arith.constant 752 : index
        %parallel_loop3A_323 = tpu.vector_load %arg4[%parallel_loop3A_321, %parallel_loop3A_322] {strides = array<i32>} : memref<32x1024xf32, #tpu.memory_space<vmem>>, vector<1x16xf32>,
        %parallel_loop3A_324 = vector.shape_cast %parallel_loop3A_323 : vector<1x16xf32> to vector<16xf32>
        %parallel_loop3A_325 = arith.maximumf %parallel_loop3A_285, %parallel_loop3A_324 : vector<16xf32>
        %parallel_loop3A_326 = arith.index_cast %parallel_loop3A_77 : i32 to index
        %parallel_loop3A_327 = arith.constant 768 : index
        %parallel_loop3A_328 = tpu.vector_load %arg4[%parallel_loop3A_326, %parallel_loop3A_327] {strides = array<i32>} : memref<32x1024xf32, #tpu.memory_space<vmem>>, vector<1x16xf32>,
        %parallel_loop3A_329 = vector.shape_cast %parallel_loop3A_328 : vector<1x16xf32> to vector<16xf32>
        %parallel_loop3A_330 = arith.maximumf %parallel_loop3A_290, %parallel_loop3A_329 : vector<16xf32>
        %parallel_loop3A_331 = arith.index_cast %parallel_loop3A_77 : i32 to index
        %parallel_loop3A_332 = arith.constant 784 : index
        %parallel_loop3A_333 = tpu.vector_load %arg4[%parallel_loop3A_331, %parallel_loop3A_332] {strides = array<i32>} : memref<32x1024xf32, #tpu.memory_space<vmem>>, vector<1x16xf32>,
        %parallel_loop3A_334 = vector.shape_cast %parallel_loop3A_333 : vector<1x16xf32> to vector<16xf32>
        %parallel_loop3A_335 = arith.maximumf %parallel_loop3A_295, %parallel_loop3A_334 : vector<16xf32>
        %parallel_loop3A_336 = arith.index_cast %parallel_loop3A_77 : i32 to index
        %parallel_loop3A_337 = arith.constant 800 : index
        %parallel_loop3A_338 = tpu.vector_load %arg4[%parallel_loop3A_336, %parallel_loop3A_337] {strides = array<i32>} : memref<32x1024xf32, #tpu.memory_space<vmem>>, vector<1x16xf32>,
        %parallel_loop3A_339 = vector.shape_cast %parallel_loop3A_338 : vector<1x16xf32> to vector<16xf32>
        %parallel_loop3A_340 = arith.maximumf %parallel_loop3A_300, %parallel_loop3A_339 : vector<16xf32>
        %parallel_loop3A_341 = arith.index_cast %parallel_loop3A_77 : i32 to index
        %parallel_loop3A_342 = arith.constant 816 : index
        %parallel_loop3A_343 = tpu.vector_load %arg4[%parallel_loop3A_341, %parallel_loop3A_342] {strides = array<i32>} : memref<32x1024xf32, #tpu.memory_space<vmem>>, vector<1x16xf32>,
        %parallel_loop3A_344 = vector.shape_cast %parallel_loop3A_343 : vector<1x16xf32> to vector<16xf32>
        %parallel_loop3A_345 = arith.maximumf %parallel_loop3A_305, %parallel_loop3A_344 : vector<16xf32>
        %parallel_loop3A_346 = arith.index_cast %parallel_loop3A_77 : i32 to index
        %parallel_loop3A_347 = arith.constant 832 : index
        %parallel_loop3A_348 = tpu.vector_load %arg4[%parallel_loop3A_346, %parallel_loop3A_347] {strides = array<i32>} : memref<32x1024xf32, #tpu.memory_space<vmem>>, vector<1x16xf32>,
        %parallel_loop3A_349 = vector.shape_cast %parallel_loop3A_348 : vector<1x16xf32> to vector<16xf32>
        %parallel_loop3A_350 = arith.maximumf %parallel_loop3A_310, %parallel_loop3A_349 : vector<16xf32>
        %parallel_loop3A_351 = arith.index_cast %parallel_loop3A_77 : i32 to index
        %parallel_loop3A_352 = arith.constant 848 : index
        %parallel_loop3A_353 = tpu.vector_load %arg4[%parallel_loop3A_351, %parallel_loop3A_352] {strides = array<i32>} : memref<32x1024xf32, #tpu.memory_space<vmem>>, vector<1x16xf32>,
        %parallel_loop3A_354 = vector.shape_cast %parallel_loop3A_353 : vector<1x16xf32> to vector<16xf32>
        %parallel_loop3A_355 = arith.maximumf %parallel_loop3A_315, %parallel_loop3A_354 : vector<16xf32>
        %parallel_loop3A_356 = arith.index_cast %parallel_loop3A_77 : i32 to index
        %parallel_loop3A_357 = arith.constant 864 : index
        %parallel_loop3A_358 = tpu.vector_load %arg4[%parallel_loop3A_356, %parallel_loop3A_357] {strides = array<i32>} : memref<32x1024xf32, #tpu.memory_space<vmem>>, vector<1x16xf32>,
        %parallel_loop3A_359 = vector.shape_cast %parallel_loop3A_358 : vector<1x16xf32> to vector<16xf32>
        %parallel_loop3A_360 = arith.maximumf %parallel_loop3A_320, %parallel_loop3A_359 : vector<16xf32>
        %parallel_loop3A_361 = arith.index_cast %parallel_loop3A_77 : i32 to index
        %parallel_loop3A_362 = arith.constant 880 : index
        %parallel_loop3A_363 = tpu.vector_load %arg4[%parallel_loop3A_361, %parallel_loop3A_362] {strides = array<i32>} : memref<32x1024xf32, #tpu.memory_space<vmem>>, vector<1x16xf32>,
        %parallel_loop3A_364 = vector.shape_cast %parallel_loop3A_363 : vector<1x16xf32> to vector<16xf32>
        %parallel_loop3A_365 = arith.maximumf %parallel_loop3A_325, %parallel_loop3A_364 : vector<16xf32>
        %parallel_loop3A_366 = arith.index_cast %parallel_loop3A_77 : i32 to index
        %parallel_loop3A_367 = arith.constant 896 : index
        %parallel_loop3A_368 = tpu.vector_load %arg4[%parallel_loop3A_366, %parallel_loop3A_367] {strides = array<i32>} : memref<32x1024xf32, #tpu.memory_space<vmem>>, vector<1x16xf32>,
        %parallel_loop3A_369 = vector.shape_cast %parallel_loop3A_368 : vector<1x16xf32> to vector<16xf32>
        %parallel_loop3A_370 = arith.maximumf %parallel_loop3A_330, %parallel_loop3A_369 : vector<16xf32>
        %parallel_loop3A_371 = arith.index_cast %parallel_loop3A_77 : i32 to index
        %parallel_loop3A_372 = arith.constant 912 : index
        %parallel_loop3A_373 = tpu.vector_load %arg4[%parallel_loop3A_371, %parallel_loop3A_372] {strides = array<i32>} : memref<32x1024xf32, #tpu.memory_space<vmem>>, vector<1x16xf32>,
        %parallel_loop3A_374 = vector.shape_cast %parallel_loop3A_373 : vector<1x16xf32> to vector<16xf32>
        %parallel_loop3A_375 = arith.maximumf %parallel_loop3A_335, %parallel_loop3A_374 : vector<16xf32>
        %parallel_loop3A_376 = arith.index_cast %parallel_loop3A_77 : i32 to index
        %parallel_loop3A_377 = arith.constant 928 : index
        %parallel_loop3A_378 = tpu.vector_load %arg4[%parallel_loop3A_376, %parallel_loop3A_377] {strides = array<i32>} : memref<32x1024xf32, #tpu.memory_space<vmem>>, vector<1x16xf32>,
        %parallel_loop3A_379 = vector.shape_cast %parallel_loop3A_378 : vector<1x16xf32> to vector<16xf32>
        %parallel_loop3A_380 = arith.maximumf %parallel_loop3A_340, %parallel_loop3A_379 : vector<16xf32>
        %parallel_loop3A_381 = arith.index_cast %parallel_loop3A_77 : i32 to index
        %parallel_loop3A_382 = arith.constant 944 : index
        %parallel_loop3A_383 = tpu.vector_load %arg4[%parallel_loop3A_381, %parallel_loop3A_382] {strides = array<i32>} : memref<32x1024xf32, #tpu.memory_space<vmem>>, vector<1x16xf32>,
        %parallel_loop3A_384 = vector.shape_cast %parallel_loop3A_383 : vector<1x16xf32> to vector<16xf32>
        %parallel_loop3A_385 = arith.maximumf %parallel_loop3A_345, %parallel_loop3A_384 : vector<16xf32>
        %parallel_loop3A_386 = arith.index_cast %parallel_loop3A_77 : i32 to index
        %parallel_loop3A_387 = arith.constant 960 : index
        %parallel_loop3A_388 = tpu.vector_load %arg4[%parallel_loop3A_386, %parallel_loop3A_387] {strides = array<i32>} : memref<32x1024xf32, #tpu.memory_space<vmem>>, vector<1x16xf32>,
        %parallel_loop3A_389 = vector.shape_cast %parallel_loop3A_388 : vector<1x16xf32> to vector<16xf32>
        %parallel_loop3A_390 = arith.maximumf %parallel_loop3A_350, %parallel_loop3A_389 : vector<16xf32>
        %parallel_loop3A_391 = arith.index_cast %parallel_loop3A_77 : i32 to index
        %parallel_loop3A_392 = arith.constant 976 : index
        %parallel_loop3A_393 = tpu.vector_load %arg4[%parallel_loop3A_391, %parallel_loop3A_392] {strides = array<i32>} : memref<32x1024xf32, #tpu.memory_space<vmem>>, vector<1x16xf32>,
        %parallel_loop3A_394 = vector.shape_cast %parallel_loop3A_393 : vector<1x16xf32> to vector<16xf32>
        %parallel_loop3A_395 = arith.maximumf %parallel_loop3A_355, %parallel_loop3A_394 : vector<16xf32>
        %parallel_loop3A_396 = arith.index_cast %parallel_loop3A_77 : i32 to index
        %parallel_loop3A_397 = arith.constant 992 : index
        %parallel_loop3A_398 = tpu.vector_load %arg4[%parallel_loop3A_396, %parallel_loop3A_397] {strides = array<i32>} : memref<32x1024xf32, #tpu.memory_space<vmem>>, vector<1x16xf32>,
        %parallel_loop3A_399 = vector.shape_cast %parallel_loop3A_398 : vector<1x16xf32> to vector<16xf32>
        %parallel_loop3A_400 = arith.maximumf %parallel_loop3A_360, %parallel_loop3A_399 : vector<16xf32>
        %parallel_loop3A_401 = arith.index_cast %parallel_loop3A_77 : i32 to index
        %parallel_loop3A_402 = arith.constant 1008 : index
        %parallel_loop3A_403 = tpu.vector_load %arg4[%parallel_loop3A_401, %parallel_loop3A_402] {strides = array<i32>} : memref<32x1024xf32, #tpu.memory_space<vmem>>, vector<1x16xf32>,
        %parallel_loop3A_404 = vector.shape_cast %parallel_loop3A_403 : vector<1x16xf32> to vector<16xf32>
        %parallel_loop3A_405 = arith.maximumf %parallel_loop3A_365, %parallel_loop3A_404 : vector<16xf32>
        scf.yield %parallel_loop3A_370, %parallel_loop3A_375, %parallel_loop3A_380, %parallel_loop3A_385, %parallel_loop3A_390, %parallel_loop3A_395, %parallel_loop3A_400, %parallel_loop3A_405 : vector<16xf32>, vector<16xf32>, vector<16xf32>, vector<16xf32>, vector<16xf32>, vector<16xf32>, vector<16xf32>, vector<16xf32>
      } {sc.loop_unroll_factor = 4 : i64, sc.parallel_access}
      %add3A_51 = arith.constant 2 : i32
      %add3A_52 = arith.addi %add3A_41, %add3A_51 : i32
      %lt3A = arith.constant 6 : i32
      %lt3A_53 = arith.cmpi slt, %add3A_52, %lt3A : i32
      %convert_element_type3A = arith.extui %lt3A_53 : i1 to i32
      %cond3A = arith.constant 0 : i32
      %cond3A_54 = arith.cmpi ne, %convert_element_type3A, %cond3A : i32
      scf.if %cond3A_54 {
        %add3A_77 = arith.constant 2 : i32
        %add3A_78 = arith.addi %add3A_41, %add3A_77 : i32
        %mul3A_79 = arith.constant 32 : i32
        %mul3A_80 = arith.muli %add3A_78, %mul3A_79 : i32
        %add3A_81 = arith.addi %mul3A_2, %mul3A_80 : i32
        %dma_start3A_82 = arith.constant 0 : i32
        %dma_start3A_83 = tpu.memref_slice %arg2[%add3A_81, %dma_start3A_82] : memref<32768x1024xf32, #tpu.memory_space<hbm>> -> memref<32x1024xf32, #tpu.memory_space<hbm>>
        %dma_start3A_84 = arith.constant 0 : i32
        %dma_start3A_85 = tpu.memref_slice %arg2[%add3A_81, %dma_start3A_84] : memref<32768x1024xf32, #tpu.memory_space<hbm>> -> memref<32x1024xf32, #tpu.memory_space<hbm>>
        tpu.enqueue_dma source(%dma_start3A_85 : memref<32x1024xf32, #tpu.memory_space<hbm>>) target(%arg4 : memref<32x1024xf32, #tpu.memory_space<vmem>>) target_semaphore(%arg7 : memref<!tpu.dma_semaphore, #tpu.memory_space<semaphore_mem>>)
      } else {
      }
      %mul3A_55 = arith.constant 2 : i32
      %mul3A_56 = arith.muli %scan3A_29, %mul3A_55 : i32
      %add3A_57 = arith.constant 1 : i32
      %add3A_58 = arith.addi %mul3A_56, %add3A_57 : i32
      %mul3A_59 = arith.constant 32 : i32
      %mul3A_60 = arith.muli %add3A_58, %mul3A_59 : i32
      %add3A_61 = arith.addi %mul3A_2, %mul3A_60 : i32
      %dma_wait3A_62 = arith.constant 0 : i32
      %dma_wait3A_63 = tpu.memref_slice %arg2[%add3A_61, %dma_wait3A_62] : memref<32768x1024xf32, #tpu.memory_space<hbm>> -> memref<32x1024xf32, #tpu.memory_space<hbm>>
      %dma_wait3A_64 = arith.constant 0 : i32
      %dma_wait3A_65 = tpu.memref_slice %arg2[%add3A_61, %dma_wait3A_64] : memref<32768x1024xf32, #tpu.memory_space<hbm>> -> memref<32x1024xf32, #tpu.memory_space<hbm>>
      tpu.wait_dma2 semaphore(%arg8 : memref<!tpu.dma_semaphore, #tpu.memory_space<semaphore_mem>>) src(%dma_wait3A_65 : memref<32x1024xf32, #tpu.memory_space<hbm>>) dst(%arg5 : memref<32x1024xf32, #tpu.memory_space<vmem>>)
      %parallel_loop3A_66 = arith.constant 0 : i32
      %parallel_loop3A_67 = arith.constant 32 : i32
      %parallel_loop3A_68 = arith.constant 1 : i32
      %parallel_loop3A_69:8 = scf.for %parallel_loop3A_77 = %parallel_loop3A_66 to %parallel_loop3A_67 step %parallel_loop3A_68 iter_args(%parallel_loop3A_78 = %parallel_loop3A_50#0, %parallel_loop3A_79 = %parallel_loop3A_50#1, %parallel_loop3A_80 = %parallel_loop3A_50#2, %parallel_loop3A_81 = %parallel_loop3A_50#3, %parallel_loop3A_82 = %parallel_loop3A_50#4, %parallel_loop3A_83 = %parallel_loop3A_50#5, %parallel_loop3A_84 = %parallel_loop3A_50#6, %parallel_loop3A_85 = %parallel_loop3A_50#7) -> (vector<16xf32>, vector<16xf32>, vector<16xf32>, vector<16xf32>, vector<16xf32>, vector<16xf32>, vector<16xf32>, vector<16xf32>)  : i32 {
        %parallel_loop3A_86 = arith.index_cast %parallel_loop3A_77 : i32 to index
        %parallel_loop3A_87 = arith.constant 0 : index
        %parallel_loop3A_88 = tpu.vector_load %arg5[%parallel_loop3A_86, %parallel_loop3A_87] {strides = array<i32>} : memref<32x1024xf32, #tpu.memory_space<vmem>>, vector<1x16xf32>,
        %parallel_loop3A_89 = vector.shape_cast %parallel_loop3A_88 : vector<1x16xf32> to vector<16xf32>
        %parallel_loop3A_90 = arith.maximumf %parallel_loop3A_78, %parallel_loop3A_89 : vector<16xf32>
        %parallel_loop3A_91 = arith.index_cast %parallel_loop3A_77 : i32 to index
        %parallel_loop3A_92 = arith.constant 16 : index
        %parallel_loop3A_93 = tpu.vector_load %arg5[%parallel_loop3A_91, %parallel_loop3A_92] {strides = array<i32>} : memref<32x1024xf32, #tpu.memory_space<vmem>>, vector<1x16xf32>,
        %parallel_loop3A_94 = vector.shape_cast %parallel_loop3A_93 : vector<1x16xf32> to vector<16xf32>
        %parallel_loop3A_95 = arith.maximumf %parallel_loop3A_79, %parallel_loop3A_94 : vector<16xf32>
        %parallel_loop3A_96 = arith.index_cast %parallel_loop3A_77 : i32 to index
        %parallel_loop3A_97 = arith.constant 32 : index
        %parallel_loop3A_98 = tpu.vector_load %arg5[%parallel_loop3A_96, %parallel_loop3A_97] {strides = array<i32>} : memref<32x1024xf32, #tpu.memory_space<vmem>>, vector<1x16xf32>,
        %parallel_loop3A_99 = vector.shape_cast %parallel_loop3A_98 : vector<1x16xf32> to vector<16xf32>
        %parallel_loop3A_100 = arith.maximumf %parallel_loop3A_80, %parallel_loop3A_99 : vector<16xf32>
        %parallel_loop3A_101 = arith.index_cast %parallel_loop3A_77 : i32 to index
        %parallel_loop3A_102 = arith.constant 48 : index
        %parallel_loop3A_103 = tpu.vector_load %arg5[%parallel_loop3A_101, %parallel_loop3A_102] {strides = array<i32>} : memref<32x1024xf32, #tpu.memory_space<vmem>>, vector<1x16xf32>,
        %parallel_loop3A_104 = vector.shape_cast %parallel_loop3A_103 : vector<1x16xf32> to vector<16xf32>
        %parallel_loop3A_105 = arith.maximumf %parallel_loop3A_81, %parallel_loop3A_104 : vector<16xf32>
        %parallel_loop3A_106 = arith.index_cast %parallel_loop3A_77 : i32 to index
        %parallel_loop3A_107 = arith.constant 64 : index
        %parallel_loop3A_108 = tpu.vector_load %arg5[%parallel_loop3A_106, %parallel_loop3A_107] {strides = array<i32>} : memref<32x1024xf32, #tpu.memory_space<vmem>>, vector<1x16xf32>,
        %parallel_loop3A_109 = vector.shape_cast %parallel_loop3A_108 : vector<1x16xf32> to vector<16xf32>
        %parallel_loop3A_110 = arith.maximumf %parallel_loop3A_82, %parallel_loop3A_109 : vector<16xf32>
        %parallel_loop3A_111 = arith.index_cast %parallel_loop3A_77 : i32 to index
        %parallel_loop3A_112 = arith.constant 80 : index
        %parallel_loop3A_113 = tpu.vector_load %arg5[%parallel_loop3A_111, %parallel_loop3A_112] {strides = array<i32>} : memref<32x1024xf32, #tpu.memory_space<vmem>>, vector<1x16xf32>,
        %parallel_loop3A_114 = vector.shape_cast %parallel_loop3A_113 : vector<1x16xf32> to vector<16xf32>
        %parallel_loop3A_115 = arith.maximumf %parallel_loop3A_83, %parallel_loop3A_114 : vector<16xf32>
        %parallel_loop3A_116 = arith.index_cast %parallel_loop3A_77 : i32 to index
        %parallel_loop3A_117 = arith.constant 96 : index
        %parallel_loop3A_118 = tpu.vector_load %arg5[%parallel_loop3A_116, %parallel_loop3A_117] {strides = array<i32>} : memref<32x1024xf32, #tpu.memory_space<vmem>>, vector<1x16xf32>,
        %parallel_loop3A_119 = vector.shape_cast %parallel_loop3A_118 : vector<1x16xf32> to vector<16xf32>
        %parallel_loop3A_120 = arith.maximumf %parallel_loop3A_84, %parallel_loop3A_119 : vector<16xf32>
        %parallel_loop3A_121 = arith.index_cast %parallel_loop3A_77 : i32 to index
        %parallel_loop3A_122 = arith.constant 112 : index
        %parallel_loop3A_123 = tpu.vector_load %arg5[%parallel_loop3A_121, %parallel_loop3A_122] {strides = array<i32>} : memref<32x1024xf32, #tpu.memory_space<vmem>>, vector<1x16xf32>,
        %parallel_loop3A_124 = vector.shape_cast %parallel_loop3A_123 : vector<1x16xf32> to vector<16xf32>
        %parallel_loop3A_125 = arith.maximumf %parallel_loop3A_85, %parallel_loop3A_124 : vector<16xf32>
        %parallel_loop3A_126 = arith.index_cast %parallel_loop3A_77 : i32 to index
        %parallel_loop3A_127 = arith.constant 128 : index
        %parallel_loop3A_128 = tpu.vector_load %arg5[%parallel_loop3A_126, %parallel_loop3A_127] {strides = array<i32>} : memref<32x1024xf32, #tpu.memory_space<vmem>>, vector<1x16xf32>,
        %parallel_loop3A_129 = vector.shape_cast %parallel_loop3A_128 : vector<1x16xf32> to vector<16xf32>
        %parallel_loop3A_130 = arith.maximumf %parallel_loop3A_90, %parallel_loop3A_129 : vector<16xf32>
        %parallel_loop3A_131 = arith.index_cast %parallel_loop3A_77 : i32 to index
        %parallel_loop3A_132 = arith.constant 144 : index
        %parallel_loop3A_133 = tpu.vector_load %arg5[%parallel_loop3A_131, %parallel_loop3A_132] {strides = array<i32>} : memref<32x1024xf32, #tpu.memory_space<vmem>>, vector<1x16xf32>,
        %parallel_loop3A_134 = vector.shape_cast %parallel_loop3A_133 : vector<1x16xf32> to vector<16xf32>
        %parallel_loop3A_135 = arith.maximumf %parallel_loop3A_95, %parallel_loop3A_134 : vector<16xf32>
        %parallel_loop3A_136 = arith.index_cast %parallel_loop3A_77 : i32 to index
        %parallel_loop3A_137 = arith.constant 160 : index
        %parallel_loop3A_138 = tpu.vector_load %arg5[%parallel_loop3A_136, %parallel_loop3A_137] {strides = array<i32>} : memref<32x1024xf32, #tpu.memory_space<vmem>>, vector<1x16xf32>,
        %parallel_loop3A_139 = vector.shape_cast %parallel_loop3A_138 : vector<1x16xf32> to vector<16xf32>
        %parallel_loop3A_140 = arith.maximumf %parallel_loop3A_100, %parallel_loop3A_139 : vector<16xf32>
        %parallel_loop3A_141 = arith.index_cast %parallel_loop3A_77 : i32 to index
        %parallel_loop3A_142 = arith.constant 176 : index
        %parallel_loop3A_143 = tpu.vector_load %arg5[%parallel_loop3A_141, %parallel_loop3A_142] {strides = array<i32>} : memref<32x1024xf32, #tpu.memory_space<vmem>>, vector<1x16xf32>,
        %parallel_loop3A_144 = vector.shape_cast %parallel_loop3A_143 : vector<1x16xf32> to vector<16xf32>
        %parallel_loop3A_145 = arith.maximumf %parallel_loop3A_105, %parallel_loop3A_144 : vector<16xf32>
        %parallel_loop3A_146 = arith.index_cast %parallel_loop3A_77 : i32 to index
        %parallel_loop3A_147 = arith.constant 192 : index
        %parallel_loop3A_148 = tpu.vector_load %arg5[%parallel_loop3A_146, %parallel_loop3A_147] {strides = array<i32>} : memref<32x1024xf32, #tpu.memory_space<vmem>>, vector<1x16xf32>,
        %parallel_loop3A_149 = vector.shape_cast %parallel_loop3A_148 : vector<1x16xf32> to vector<16xf32>
        %parallel_loop3A_150 = arith.maximumf %parallel_loop3A_110, %parallel_loop3A_149 : vector<16xf32>
        %parallel_loop3A_151 = arith.index_cast %parallel_loop3A_77 : i32 to index
        %parallel_loop3A_152 = arith.constant 208 : index
        %parallel_loop3A_153 = tpu.vector_load %arg5[%parallel_loop3A_151, %parallel_loop3A_152] {strides = array<i32>} : memref<32x1024xf32, #tpu.memory_space<vmem>>, vector<1x16xf32>,
        %parallel_loop3A_154 = vector.shape_cast %parallel_loop3A_153 : vector<1x16xf32> to vector<16xf32>
        %parallel_loop3A_155 = arith.maximumf %parallel_loop3A_115, %parallel_loop3A_154 : vector<16xf32>
        %parallel_loop3A_156 = arith.index_cast %parallel_loop3A_77 : i32 to index
        %parallel_loop3A_157 = arith.constant 224 : index
        %parallel_loop3A_158 = tpu.vector_load %arg5[%parallel_loop3A_156, %parallel_loop3A_157] {strides = array<i32>} : memref<32x1024xf32, #tpu.memory_space<vmem>>, vector<1x16xf32>,
        %parallel_loop3A_159 = vector.shape_cast %parallel_loop3A_158 : vector<1x16xf32> to vector<16xf32>
        %parallel_loop3A_160 = arith.maximumf %parallel_loop3A_120, %parallel_loop3A_159 : vector<16xf32>
        %parallel_loop3A_161 = arith.index_cast %parallel_loop3A_77 : i32 to index
        %parallel_loop3A_162 = arith.constant 240 : index
        %parallel_loop3A_163 = tpu.vector_load %arg5[%parallel_loop3A_161, %parallel_loop3A_162] {strides = array<i32>} : memref<32x1024xf32, #tpu.memory_space<vmem>>, vector<1x16xf32>,
        %parallel_loop3A_164 = vector.shape_cast %parallel_loop3A_163 : vector<1x16xf32> to vector<16xf32>
        %parallel_loop3A_165 = arith.maximumf %parallel_loop3A_125, %parallel_loop3A_164 : vector<16xf32>
        %parallel_loop3A_166 = arith.index_cast %parallel_loop3A_77 : i32 to index
        %parallel_loop3A_167 = arith.constant 256 : index
        %parallel_loop3A_168 = tpu.vector_load %arg5[%parallel_loop3A_166, %parallel_loop3A_167] {strides = array<i32>} : memref<32x1024xf32, #tpu.memory_space<vmem>>, vector<1x16xf32>,
        %parallel_loop3A_169 = vector.shape_cast %parallel_loop3A_168 : vector<1x16xf32> to vector<16xf32>
        %parallel_loop3A_170 = arith.maximumf %parallel_loop3A_130, %parallel_loop3A_169 : vector<16xf32>
        %parallel_loop3A_171 = arith.index_cast %parallel_loop3A_77 : i32 to index
        %parallel_loop3A_172 = arith.constant 272 : index
        %parallel_loop3A_173 = tpu.vector_load %arg5[%parallel_loop3A_171, %parallel_loop3A_172] {strides = array<i32>} : memref<32x1024xf32, #tpu.memory_space<vmem>>, vector<1x16xf32>,
        %parallel_loop3A_174 = vector.shape_cast %parallel_loop3A_173 : vector<1x16xf32> to vector<16xf32>
        %parallel_loop3A_175 = arith.maximumf %parallel_loop3A_135, %parallel_loop3A_174 : vector<16xf32>
        %parallel_loop3A_176 = arith.index_cast %parallel_loop3A_77 : i32 to index
        %parallel_loop3A_177 = arith.constant 288 : index
        %parallel_loop3A_178 = tpu.vector_load %arg5[%parallel_loop3A_176, %parallel_loop3A_177] {strides = array<i32>} : memref<32x1024xf32, #tpu.memory_space<vmem>>, vector<1x16xf32>,
        %parallel_loop3A_179 = vector.shape_cast %parallel_loop3A_178 : vector<1x16xf32> to vector<16xf32>
        %parallel_loop3A_180 = arith.maximumf %parallel_loop3A_140, %parallel_loop3A_179 : vector<16xf32>
        %parallel_loop3A_181 = arith.index_cast %parallel_loop3A_77 : i32 to index
        %parallel_loop3A_182 = arith.constant 304 : index
        %parallel_loop3A_183 = tpu.vector_load %arg5[%parallel_loop3A_181, %parallel_loop3A_182] {strides = array<i32>} : memref<32x1024xf32, #tpu.memory_space<vmem>>, vector<1x16xf32>,
        %parallel_loop3A_184 = vector.shape_cast %parallel_loop3A_183 : vector<1x16xf32> to vector<16xf32>
        %parallel_loop3A_185 = arith.maximumf %parallel_loop3A_145, %parallel_loop3A_184 : vector<16xf32>
        %parallel_loop3A_186 = arith.index_cast %parallel_loop3A_77 : i32 to index
        %parallel_loop3A_187 = arith.constant 320 : index
        %parallel_loop3A_188 = tpu.vector_load %arg5[%parallel_loop3A_186, %parallel_loop3A_187] {strides = array<i32>} : memref<32x1024xf32, #tpu.memory_space<vmem>>, vector<1x16xf32>,
        %parallel_loop3A_189 = vector.shape_cast %parallel_loop3A_188 : vector<1x16xf32> to vector<16xf32>
        %parallel_loop3A_190 = arith.maximumf %parallel_loop3A_150, %parallel_loop3A_189 : vector<16xf32>
        %parallel_loop3A_191 = arith.index_cast %parallel_loop3A_77 : i32 to index
        %parallel_loop3A_192 = arith.constant 336 : index
        %parallel_loop3A_193 = tpu.vector_load %arg5[%parallel_loop3A_191, %parallel_loop3A_192] {strides = array<i32>} : memref<32x1024xf32, #tpu.memory_space<vmem>>, vector<1x16xf32>,
        %parallel_loop3A_194 = vector.shape_cast %parallel_loop3A_193 : vector<1x16xf32> to vector<16xf32>
        %parallel_loop3A_195 = arith.maximumf %parallel_loop3A_155, %parallel_loop3A_194 : vector<16xf32>
        %parallel_loop3A_196 = arith.index_cast %parallel_loop3A_77 : i32 to index
        %parallel_loop3A_197 = arith.constant 352 : index
        %parallel_loop3A_198 = tpu.vector_load %arg5[%parallel_loop3A_196, %parallel_loop3A_197] {strides = array<i32>} : memref<32x1024xf32, #tpu.memory_space<vmem>>, vector<1x16xf32>,
        %parallel_loop3A_199 = vector.shape_cast %parallel_loop3A_198 : vector<1x16xf32> to vector<16xf32>
        %parallel_loop3A_200 = arith.maximumf %parallel_loop3A_160, %parallel_loop3A_199 : vector<16xf32>
        %parallel_loop3A_201 = arith.index_cast %parallel_loop3A_77 : i32 to index
        %parallel_loop3A_202 = arith.constant 368 : index
        %parallel_loop3A_203 = tpu.vector_load %arg5[%parallel_loop3A_201, %parallel_loop3A_202] {strides = array<i32>} : memref<32x1024xf32, #tpu.memory_space<vmem>>, vector<1x16xf32>,
        %parallel_loop3A_204 = vector.shape_cast %parallel_loop3A_203 : vector<1x16xf32> to vector<16xf32>
        %parallel_loop3A_205 = arith.maximumf %parallel_loop3A_165, %parallel_loop3A_204 : vector<16xf32>
        %parallel_loop3A_206 = arith.index_cast %parallel_loop3A_77 : i32 to index
        %parallel_loop3A_207 = arith.constant 384 : index
        %parallel_loop3A_208 = tpu.vector_load %arg5[%parallel_loop3A_206, %parallel_loop3A_207] {strides = array<i32>} : memref<32x1024xf32, #tpu.memory_space<vmem>>, vector<1x16xf32>,
        %parallel_loop3A_209 = vector.shape_cast %parallel_loop3A_208 : vector<1x16xf32> to vector<16xf32>
        %parallel_loop3A_210 = arith.maximumf %parallel_loop3A_170, %parallel_loop3A_209 : vector<16xf32>
        %parallel_loop3A_211 = arith.index_cast %parallel_loop3A_77 : i32 to index
        %parallel_loop3A_212 = arith.constant 400 : index
        %parallel_loop3A_213 = tpu.vector_load %arg5[%parallel_loop3A_211, %parallel_loop3A_212] {strides = array<i32>} : memref<32x1024xf32, #tpu.memory_space<vmem>>, vector<1x16xf32>,
        %parallel_loop3A_214 = vector.shape_cast %parallel_loop3A_213 : vector<1x16xf32> to vector<16xf32>
        %parallel_loop3A_215 = arith.maximumf %parallel_loop3A_175, %parallel_loop3A_214 : vector<16xf32>
        %parallel_loop3A_216 = arith.index_cast %parallel_loop3A_77 : i32 to index
        %parallel_loop3A_217 = arith.constant 416 : index
        %parallel_loop3A_218 = tpu.vector_load %arg5[%parallel_loop3A_216, %parallel_loop3A_217] {strides = array<i32>} : memref<32x1024xf32, #tpu.memory_space<vmem>>, vector<1x16xf32>,
        %parallel_loop3A_219 = vector.shape_cast %parallel_loop3A_218 : vector<1x16xf32> to vector<16xf32>
        %parallel_loop3A_220 = arith.maximumf %parallel_loop3A_180, %parallel_loop3A_219 : vector<16xf32>
        %parallel_loop3A_221 = arith.index_cast %parallel_loop3A_77 : i32 to index
        %parallel_loop3A_222 = arith.constant 432 : index
        %parallel_loop3A_223 = tpu.vector_load %arg5[%parallel_loop3A_221, %parallel_loop3A_222] {strides = array<i32>} : memref<32x1024xf32, #tpu.memory_space<vmem>>, vector<1x16xf32>,
        %parallel_loop3A_224 = vector.shape_cast %parallel_loop3A_223 : vector<1x16xf32> to vector<16xf32>
        %parallel_loop3A_225 = arith.maximumf %parallel_loop3A_185, %parallel_loop3A_224 : vector<16xf32>
        %parallel_loop3A_226 = arith.index_cast %parallel_loop3A_77 : i32 to index
        %parallel_loop3A_227 = arith.constant 448 : index
        %parallel_loop3A_228 = tpu.vector_load %arg5[%parallel_loop3A_226, %parallel_loop3A_227] {strides = array<i32>} : memref<32x1024xf32, #tpu.memory_space<vmem>>, vector<1x16xf32>,
        %parallel_loop3A_229 = vector.shape_cast %parallel_loop3A_228 : vector<1x16xf32> to vector<16xf32>
        %parallel_loop3A_230 = arith.maximumf %parallel_loop3A_190, %parallel_loop3A_229 : vector<16xf32>
        %parallel_loop3A_231 = arith.index_cast %parallel_loop3A_77 : i32 to index
        %parallel_loop3A_232 = arith.constant 464 : index
        %parallel_loop3A_233 = tpu.vector_load %arg5[%parallel_loop3A_231, %parallel_loop3A_232] {strides = array<i32>} : memref<32x1024xf32, #tpu.memory_space<vmem>>, vector<1x16xf32>,
        %parallel_loop3A_234 = vector.shape_cast %parallel_loop3A_233 : vector<1x16xf32> to vector<16xf32>
        %parallel_loop3A_235 = arith.maximumf %parallel_loop3A_195, %parallel_loop3A_234 : vector<16xf32>
        %parallel_loop3A_236 = arith.index_cast %parallel_loop3A_77 : i32 to index
        %parallel_loop3A_237 = arith.constant 480 : index
        %parallel_loop3A_238 = tpu.vector_load %arg5[%parallel_loop3A_236, %parallel_loop3A_237] {strides = array<i32>} : memref<32x1024xf32, #tpu.memory_space<vmem>>, vector<1x16xf32>,
        %parallel_loop3A_239 = vector.shape_cast %parallel_loop3A_238 : vector<1x16xf32> to vector<16xf32>
        %parallel_loop3A_240 = arith.maximumf %parallel_loop3A_200, %parallel_loop3A_239 : vector<16xf32>
        %parallel_loop3A_241 = arith.index_cast %parallel_loop3A_77 : i32 to index
        %parallel_loop3A_242 = arith.constant 496 : index
        %parallel_loop3A_243 = tpu.vector_load %arg5[%parallel_loop3A_241, %parallel_loop3A_242] {strides = array<i32>} : memref<32x1024xf32, #tpu.memory_space<vmem>>, vector<1x16xf32>,
        %parallel_loop3A_244 = vector.shape_cast %parallel_loop3A_243 : vector<1x16xf32> to vector<16xf32>
        %parallel_loop3A_245 = arith.maximumf %parallel_loop3A_205, %parallel_loop3A_244 : vector<16xf32>
        %parallel_loop3A_246 = arith.index_cast %parallel_loop3A_77 : i32 to index
        %parallel_loop3A_247 = arith.constant 512 : index
        %parallel_loop3A_248 = tpu.vector_load %arg5[%parallel_loop3A_246, %parallel_loop3A_247] {strides = array<i32>} : memref<32x1024xf32, #tpu.memory_space<vmem>>, vector<1x16xf32>,
        %parallel_loop3A_249 = vector.shape_cast %parallel_loop3A_248 : vector<1x16xf32> to vector<16xf32>
        %parallel_loop3A_250 = arith.maximumf %parallel_loop3A_210, %parallel_loop3A_249 : vector<16xf32>
        %parallel_loop3A_251 = arith.index_cast %parallel_loop3A_77 : i32 to index
        %parallel_loop3A_252 = arith.constant 528 : index
        %parallel_loop3A_253 = tpu.vector_load %arg5[%parallel_loop3A_251, %parallel_loop3A_252] {strides = array<i32>} : memref<32x1024xf32, #tpu.memory_space<vmem>>, vector<1x16xf32>,
        %parallel_loop3A_254 = vector.shape_cast %parallel_loop3A_253 : vector<1x16xf32> to vector<16xf32>
        %parallel_loop3A_255 = arith.maximumf %parallel_loop3A_215, %parallel_loop3A_254 : vector<16xf32>
        %parallel_loop3A_256 = arith.index_cast %parallel_loop3A_77 : i32 to index
        %parallel_loop3A_257 = arith.constant 544 : index
        %parallel_loop3A_258 = tpu.vector_load %arg5[%parallel_loop3A_256, %parallel_loop3A_257] {strides = array<i32>} : memref<32x1024xf32, #tpu.memory_space<vmem>>, vector<1x16xf32>,
        %parallel_loop3A_259 = vector.shape_cast %parallel_loop3A_258 : vector<1x16xf32> to vector<16xf32>
        %parallel_loop3A_260 = arith.maximumf %parallel_loop3A_220, %parallel_loop3A_259 : vector<16xf32>
        %parallel_loop3A_261 = arith.index_cast %parallel_loop3A_77 : i32 to index
        %parallel_loop3A_262 = arith.constant 560 : index
        %parallel_loop3A_263 = tpu.vector_load %arg5[%parallel_loop3A_261, %parallel_loop3A_262] {strides = array<i32>} : memref<32x1024xf32, #tpu.memory_space<vmem>>, vector<1x16xf32>,
        %parallel_loop3A_264 = vector.shape_cast %parallel_loop3A_263 : vector<1x16xf32> to vector<16xf32>
        %parallel_loop3A_265 = arith.maximumf %parallel_loop3A_225, %parallel_loop3A_264 : vector<16xf32>
        %parallel_loop3A_266 = arith.index_cast %parallel_loop3A_77 : i32 to index
        %parallel_loop3A_267 = arith.constant 576 : index
        %parallel_loop3A_268 = tpu.vector_load %arg5[%parallel_loop3A_266, %parallel_loop3A_267] {strides = array<i32>} : memref<32x1024xf32, #tpu.memory_space<vmem>>, vector<1x16xf32>,
        %parallel_loop3A_269 = vector.shape_cast %parallel_loop3A_268 : vector<1x16xf32> to vector<16xf32>
        %parallel_loop3A_270 = arith.maximumf %parallel_loop3A_230, %parallel_loop3A_269 : vector<16xf32>
        %parallel_loop3A_271 = arith.index_cast %parallel_loop3A_77 : i32 to index
        %parallel_loop3A_272 = arith.constant 592 : index
        %parallel_loop3A_273 = tpu.vector_load %arg5[%parallel_loop3A_271, %parallel_loop3A_272] {strides = array<i32>} : memref<32x1024xf32, #tpu.memory_space<vmem>>, vector<1x16xf32>,
        %parallel_loop3A_274 = vector.shape_cast %parallel_loop3A_273 : vector<1x16xf32> to vector<16xf32>
        %parallel_loop3A_275 = arith.maximumf %parallel_loop3A_235, %parallel_loop3A_274 : vector<16xf32>
        %parallel_loop3A_276 = arith.index_cast %parallel_loop3A_77 : i32 to index
        %parallel_loop3A_277 = arith.constant 608 : index
        %parallel_loop3A_278 = tpu.vector_load %arg5[%parallel_loop3A_276, %parallel_loop3A_277] {strides = array<i32>} : memref<32x1024xf32, #tpu.memory_space<vmem>>, vector<1x16xf32>,
        %parallel_loop3A_279 = vector.shape_cast %parallel_loop3A_278 : vector<1x16xf32> to vector<16xf32>
        %parallel_loop3A_280 = arith.maximumf %parallel_loop3A_240, %parallel_loop3A_279 : vector<16xf32>
        %parallel_loop3A_281 = arith.index_cast %parallel_loop3A_77 : i32 to index
        %parallel_loop3A_282 = arith.constant 624 : index
        %parallel_loop3A_283 = tpu.vector_load %arg5[%parallel_loop3A_281, %parallel_loop3A_282] {strides = array<i32>} : memref<32x1024xf32, #tpu.memory_space<vmem>>, vector<1x16xf32>,
        %parallel_loop3A_284 = vector.shape_cast %parallel_loop3A_283 : vector<1x16xf32> to vector<16xf32>
        %parallel_loop3A_285 = arith.maximumf %parallel_loop3A_245, %parallel_loop3A_284 : vector<16xf32>
        %parallel_loop3A_286 = arith.index_cast %parallel_loop3A_77 : i32 to index
        %parallel_loop3A_287 = arith.constant 640 : index
        %parallel_loop3A_288 = tpu.vector_load %arg5[%parallel_loop3A_286, %parallel_loop3A_287] {strides = array<i32>} : memref<32x1024xf32, #tpu.memory_space<vmem>>, vector<1x16xf32>,
        %parallel_loop3A_289 = vector.shape_cast %parallel_loop3A_288 : vector<1x16xf32> to vector<16xf32>
        %parallel_loop3A_290 = arith.maximumf %parallel_loop3A_250, %parallel_loop3A_289 : vector<16xf32>
        %parallel_loop3A_291 = arith.index_cast %parallel_loop3A_77 : i32 to index
        %parallel_loop3A_292 = arith.constant 656 : index
        %parallel_loop3A_293 = tpu.vector_load %arg5[%parallel_loop3A_291, %parallel_loop3A_292] {strides = array<i32>} : memref<32x1024xf32, #tpu.memory_space<vmem>>, vector<1x16xf32>,
        %parallel_loop3A_294 = vector.shape_cast %parallel_loop3A_293 : vector<1x16xf32> to vector<16xf32>
        %parallel_loop3A_295 = arith.maximumf %parallel_loop3A_255, %parallel_loop3A_294 : vector<16xf32>
        %parallel_loop3A_296 = arith.index_cast %parallel_loop3A_77 : i32 to index
        %parallel_loop3A_297 = arith.constant 672 : index
        %parallel_loop3A_298 = tpu.vector_load %arg5[%parallel_loop3A_296, %parallel_loop3A_297] {strides = array<i32>} : memref<32x1024xf32, #tpu.memory_space<vmem>>, vector<1x16xf32>,
        %parallel_loop3A_299 = vector.shape_cast %parallel_loop3A_298 : vector<1x16xf32> to vector<16xf32>
        %parallel_loop3A_300 = arith.maximumf %parallel_loop3A_260, %parallel_loop3A_299 : vector<16xf32>
        %parallel_loop3A_301 = arith.index_cast %parallel_loop3A_77 : i32 to index
        %parallel_loop3A_302 = arith.constant 688 : index
        %parallel_loop3A_303 = tpu.vector_load %arg5[%parallel_loop3A_301, %parallel_loop3A_302] {strides = array<i32>} : memref<32x1024xf32, #tpu.memory_space<vmem>>, vector<1x16xf32>,
        %parallel_loop3A_304 = vector.shape_cast %parallel_loop3A_303 : vector<1x16xf32> to vector<16xf32>
        %parallel_loop3A_305 = arith.maximumf %parallel_loop3A_265, %parallel_loop3A_304 : vector<16xf32>
        %parallel_loop3A_306 = arith.index_cast %parallel_loop3A_77 : i32 to index
        %parallel_loop3A_307 = arith.constant 704 : index
        %parallel_loop3A_308 = tpu.vector_load %arg5[%parallel_loop3A_306, %parallel_loop3A_307] {strides = array<i32>} : memref<32x1024xf32, #tpu.memory_space<vmem>>, vector<1x16xf32>,
        %parallel_loop3A_309 = vector.shape_cast %parallel_loop3A_308 : vector<1x16xf32> to vector<16xf32>
        %parallel_loop3A_310 = arith.maximumf %parallel_loop3A_270, %parallel_loop3A_309 : vector<16xf32>
        %parallel_loop3A_311 = arith.index_cast %parallel_loop3A_77 : i32 to index
        %parallel_loop3A_312 = arith.constant 720 : index
        %parallel_loop3A_313 = tpu.vector_load %arg5[%parallel_loop3A_311, %parallel_loop3A_312] {strides = array<i32>} : memref<32x1024xf32, #tpu.memory_space<vmem>>, vector<1x16xf32>,
        %parallel_loop3A_314 = vector.shape_cast %parallel_loop3A_313 : vector<1x16xf32> to vector<16xf32>
        %parallel_loop3A_315 = arith.maximumf %parallel_loop3A_275, %parallel_loop3A_314 : vector<16xf32>
        %parallel_loop3A_316 = arith.index_cast %parallel_loop3A_77 : i32 to index
        %parallel_loop3A_317 = arith.constant 736 : index
        %parallel_loop3A_318 = tpu.vector_load %arg5[%parallel_loop3A_316, %parallel_loop3A_317] {strides = array<i32>} : memref<32x1024xf32, #tpu.memory_space<vmem>>, vector<1x16xf32>,
        %parallel_loop3A_319 = vector.shape_cast %parallel_loop3A_318 : vector<1x16xf32> to vector<16xf32>
        %parallel_loop3A_320 = arith.maximumf %parallel_loop3A_280, %parallel_loop3A_319 : vector<16xf32>
        %parallel_loop3A_321 = arith.index_cast %parallel_loop3A_77 : i32 to index
        %parallel_loop3A_322 = arith.constant 752 : index
        %parallel_loop3A_323 = tpu.vector_load %arg5[%parallel_loop3A_321, %parallel_loop3A_322] {strides = array<i32>} : memref<32x1024xf32, #tpu.memory_space<vmem>>, vector<1x16xf32>,
        %parallel_loop3A_324 = vector.shape_cast %parallel_loop3A_323 : vector<1x16xf32> to vector<16xf32>
        %parallel_loop3A_325 = arith.maximumf %parallel_loop3A_285, %parallel_loop3A_324 : vector<16xf32>
        %parallel_loop3A_326 = arith.index_cast %parallel_loop3A_77 : i32 to index
        %parallel_loop3A_327 = arith.constant 768 : index
        %parallel_loop3A_328 = tpu.vector_load %arg5[%parallel_loop3A_326, %parallel_loop3A_327] {strides = array<i32>} : memref<32x1024xf32, #tpu.memory_space<vmem>>, vector<1x16xf32>,
        %parallel_loop3A_329 = vector.shape_cast %parallel_loop3A_328 : vector<1x16xf32> to vector<16xf32>
        %parallel_loop3A_330 = arith.maximumf %parallel_loop3A_290, %parallel_loop3A_329 : vector<16xf32>
        %parallel_loop3A_331 = arith.index_cast %parallel_loop3A_77 : i32 to index
        %parallel_loop3A_332 = arith.constant 784 : index
        %parallel_loop3A_333 = tpu.vector_load %arg5[%parallel_loop3A_331, %parallel_loop3A_332] {strides = array<i32>} : memref<32x1024xf32, #tpu.memory_space<vmem>>, vector<1x16xf32>,
        %parallel_loop3A_334 = vector.shape_cast %parallel_loop3A_333 : vector<1x16xf32> to vector<16xf32>
        %parallel_loop3A_335 = arith.maximumf %parallel_loop3A_295, %parallel_loop3A_334 : vector<16xf32>
        %parallel_loop3A_336 = arith.index_cast %parallel_loop3A_77 : i32 to index
        %parallel_loop3A_337 = arith.constant 800 : index
        %parallel_loop3A_338 = tpu.vector_load %arg5[%parallel_loop3A_336, %parallel_loop3A_337] {strides = array<i32>} : memref<32x1024xf32, #tpu.memory_space<vmem>>, vector<1x16xf32>,
        %parallel_loop3A_339 = vector.shape_cast %parallel_loop3A_338 : vector<1x16xf32> to vector<16xf32>
        %parallel_loop3A_340 = arith.maximumf %parallel_loop3A_300, %parallel_loop3A_339 : vector<16xf32>
        %parallel_loop3A_341 = arith.index_cast %parallel_loop3A_77 : i32 to index
        %parallel_loop3A_342 = arith.constant 816 : index
        %parallel_loop3A_343 = tpu.vector_load %arg5[%parallel_loop3A_341, %parallel_loop3A_342] {strides = array<i32>} : memref<32x1024xf32, #tpu.memory_space<vmem>>, vector<1x16xf32>,
        %parallel_loop3A_344 = vector.shape_cast %parallel_loop3A_343 : vector<1x16xf32> to vector<16xf32>
        %parallel_loop3A_345 = arith.maximumf %parallel_loop3A_305, %parallel_loop3A_344 : vector<16xf32>
        %parallel_loop3A_346 = arith.index_cast %parallel_loop3A_77 : i32 to index
        %parallel_loop3A_347 = arith.constant 832 : index
        %parallel_loop3A_348 = tpu.vector_load %arg5[%parallel_loop3A_346, %parallel_loop3A_347] {strides = array<i32>} : memref<32x1024xf32, #tpu.memory_space<vmem>>, vector<1x16xf32>,
        %parallel_loop3A_349 = vector.shape_cast %parallel_loop3A_348 : vector<1x16xf32> to vector<16xf32>
        %parallel_loop3A_350 = arith.maximumf %parallel_loop3A_310, %parallel_loop3A_349 : vector<16xf32>
        %parallel_loop3A_351 = arith.index_cast %parallel_loop3A_77 : i32 to index
        %parallel_loop3A_352 = arith.constant 848 : index
        %parallel_loop3A_353 = tpu.vector_load %arg5[%parallel_loop3A_351, %parallel_loop3A_352] {strides = array<i32>} : memref<32x1024xf32, #tpu.memory_space<vmem>>, vector<1x16xf32>,
        %parallel_loop3A_354 = vector.shape_cast %parallel_loop3A_353 : vector<1x16xf32> to vector<16xf32>
        %parallel_loop3A_355 = arith.maximumf %parallel_loop3A_315, %parallel_loop3A_354 : vector<16xf32>
        %parallel_loop3A_356 = arith.index_cast %parallel_loop3A_77 : i32 to index
        %parallel_loop3A_357 = arith.constant 864 : index
        %parallel_loop3A_358 = tpu.vector_load %arg5[%parallel_loop3A_356, %parallel_loop3A_357] {strides = array<i32>} : memref<32x1024xf32, #tpu.memory_space<vmem>>, vector<1x16xf32>,
        %parallel_loop3A_359 = vector.shape_cast %parallel_loop3A_358 : vector<1x16xf32> to vector<16xf32>
        %parallel_loop3A_360 = arith.maximumf %parallel_loop3A_320, %parallel_loop3A_359 : vector<16xf32>
        %parallel_loop3A_361 = arith.index_cast %parallel_loop3A_77 : i32 to index
        %parallel_loop3A_362 = arith.constant 880 : index
        %parallel_loop3A_363 = tpu.vector_load %arg5[%parallel_loop3A_361, %parallel_loop3A_362] {strides = array<i32>} : memref<32x1024xf32, #tpu.memory_space<vmem>>, vector<1x16xf32>,
        %parallel_loop3A_364 = vector.shape_cast %parallel_loop3A_363 : vector<1x16xf32> to vector<16xf32>
        %parallel_loop3A_365 = arith.maximumf %parallel_loop3A_325, %parallel_loop3A_364 : vector<16xf32>
        %parallel_loop3A_366 = arith.index_cast %parallel_loop3A_77 : i32 to index
        %parallel_loop3A_367 = arith.constant 896 : index
        %parallel_loop3A_368 = tpu.vector_load %arg5[%parallel_loop3A_366, %parallel_loop3A_367] {strides = array<i32>} : memref<32x1024xf32, #tpu.memory_space<vmem>>, vector<1x16xf32>,
        %parallel_loop3A_369 = vector.shape_cast %parallel_loop3A_368 : vector<1x16xf32> to vector<16xf32>
        %parallel_loop3A_370 = arith.maximumf %parallel_loop3A_330, %parallel_loop3A_369 : vector<16xf32>
        %parallel_loop3A_371 = arith.index_cast %parallel_loop3A_77 : i32 to index
        %parallel_loop3A_372 = arith.constant 912 : index
        %parallel_loop3A_373 = tpu.vector_load %arg5[%parallel_loop3A_371, %parallel_loop3A_372] {strides = array<i32>} : memref<32x1024xf32, #tpu.memory_space<vmem>>, vector<1x16xf32>,
        %parallel_loop3A_374 = vector.shape_cast %parallel_loop3A_373 : vector<1x16xf32> to vector<16xf32>
        %parallel_loop3A_375 = arith.maximumf %parallel_loop3A_335, %parallel_loop3A_374 : vector<16xf32>
        %parallel_loop3A_376 = arith.index_cast %parallel_loop3A_77 : i32 to index
        %parallel_loop3A_377 = arith.constant 928 : index
        %parallel_loop3A_378 = tpu.vector_load %arg5[%parallel_loop3A_376, %parallel_loop3A_377] {strides = array<i32>} : memref<32x1024xf32, #tpu.memory_space<vmem>>, vector<1x16xf32>,
        %parallel_loop3A_379 = vector.shape_cast %parallel_loop3A_378 : vector<1x16xf32> to vector<16xf32>
        %parallel_loop3A_380 = arith.maximumf %parallel_loop3A_340, %parallel_loop3A_379 : vector<16xf32>
        %parallel_loop3A_381 = arith.index_cast %parallel_loop3A_77 : i32 to index
        %parallel_loop3A_382 = arith.constant 944 : index
        %parallel_loop3A_383 = tpu.vector_load %arg5[%parallel_loop3A_381, %parallel_loop3A_382] {strides = array<i32>} : memref<32x1024xf32, #tpu.memory_space<vmem>>, vector<1x16xf32>,
        %parallel_loop3A_384 = vector.shape_cast %parallel_loop3A_383 : vector<1x16xf32> to vector<16xf32>
        %parallel_loop3A_385 = arith.maximumf %parallel_loop3A_345, %parallel_loop3A_384 : vector<16xf32>
        %parallel_loop3A_386 = arith.index_cast %parallel_loop3A_77 : i32 to index
        %parallel_loop3A_387 = arith.constant 960 : index
        %parallel_loop3A_388 = tpu.vector_load %arg5[%parallel_loop3A_386, %parallel_loop3A_387] {strides = array<i32>} : memref<32x1024xf32, #tpu.memory_space<vmem>>, vector<1x16xf32>,
        %parallel_loop3A_389 = vector.shape_cast %parallel_loop3A_388 : vector<1x16xf32> to vector<16xf32>
        %parallel_loop3A_390 = arith.maximumf %parallel_loop3A_350, %parallel_loop3A_389 : vector<16xf32>
        %parallel_loop3A_391 = arith.index_cast %parallel_loop3A_77 : i32 to index
        %parallel_loop3A_392 = arith.constant 976 : index
        %parallel_loop3A_393 = tpu.vector_load %arg5[%parallel_loop3A_391, %parallel_loop3A_392] {strides = array<i32>} : memref<32x1024xf32, #tpu.memory_space<vmem>>, vector<1x16xf32>,
        %parallel_loop3A_394 = vector.shape_cast %parallel_loop3A_393 : vector<1x16xf32> to vector<16xf32>
        %parallel_loop3A_395 = arith.maximumf %parallel_loop3A_355, %parallel_loop3A_394 : vector<16xf32>
        %parallel_loop3A_396 = arith.index_cast %parallel_loop3A_77 : i32 to index
        %parallel_loop3A_397 = arith.constant 992 : index
        %parallel_loop3A_398 = tpu.vector_load %arg5[%parallel_loop3A_396, %parallel_loop3A_397] {strides = array<i32>} : memref<32x1024xf32, #tpu.memory_space<vmem>>, vector<1x16xf32>,
        %parallel_loop3A_399 = vector.shape_cast %parallel_loop3A_398 : vector<1x16xf32> to vector<16xf32>
        %parallel_loop3A_400 = arith.maximumf %parallel_loop3A_360, %parallel_loop3A_399 : vector<16xf32>
        %parallel_loop3A_401 = arith.index_cast %parallel_loop3A_77 : i32 to index
        %parallel_loop3A_402 = arith.constant 1008 : index
        %parallel_loop3A_403 = tpu.vector_load %arg5[%parallel_loop3A_401, %parallel_loop3A_402] {strides = array<i32>} : memref<32x1024xf32, #tpu.memory_space<vmem>>, vector<1x16xf32>,
        %parallel_loop3A_404 = vector.shape_cast %parallel_loop3A_403 : vector<1x16xf32> to vector<16xf32>
        %parallel_loop3A_405 = arith.maximumf %parallel_loop3A_365, %parallel_loop3A_404 : vector<16xf32>
        scf.yield %parallel_loop3A_370, %parallel_loop3A_375, %parallel_loop3A_380, %parallel_loop3A_385, %parallel_loop3A_390, %parallel_loop3A_395, %parallel_loop3A_400, %parallel_loop3A_405 : vector<16xf32>, vector<16xf32>, vector<16xf32>, vector<16xf32>, vector<16xf32>, vector<16xf32>, vector<16xf32>, vector<16xf32>
      } {sc.loop_unroll_factor = 4 : i64, sc.parallel_access}
      %add3A_70 = arith.constant 2 : i32
      %add3A_71 = arith.addi %add3A_58, %add3A_70 : i32
      %lt3A_72 = arith.constant 6 : i32
      %lt3A_73 = arith.cmpi slt, %add3A_71, %lt3A_72 : i32
      %convert_element_type3A_74 = arith.extui %lt3A_73 : i1 to i32
      %cond3A_75 = arith.constant 0 : i32
      %cond3A_76 = arith.cmpi ne, %convert_element_type3A_74, %cond3A_75 : i32
      scf.if %cond3A_76 {
        %add3A_77 = arith.constant 2 : i32
        %add3A_78 = arith.addi %add3A_58, %add3A_77 : i32
        %mul3A_79 = arith.constant 32 : i32
        %mul3A_80 = arith.muli %add3A_78, %mul3A_79 : i32
        %add3A_81 = arith.addi %mul3A_2, %mul3A_80 : i32
        %dma_start3A_82 = arith.constant 0 : i32
        %dma_start3A_83 = tpu.memref_slice %arg2[%add3A_81, %dma_start3A_82] : memref<32768x1024xf32, #tpu.memory_space<hbm>> -> memref<32x1024xf32, #tpu.memory_space<hbm>>
        %dma_start3A_84 = arith.constant 0 : i32
        %dma_start3A_85 = tpu.memref_slice %arg2[%add3A_81, %dma_start3A_84] : memref<32768x1024xf32, #tpu.memory_space<hbm>> -> memref<32x1024xf32, #tpu.memory_space<hbm>>
        tpu.enqueue_dma source(%dma_start3A_85 : memref<32x1024xf32, #tpu.memory_space<hbm>>) target(%arg5 : memref<32x1024xf32, #tpu.memory_space<vmem>>) target_semaphore(%arg8 : memref<!tpu.dma_semaphore, #tpu.memory_space<semaphore_mem>>)
      } else {
      }
      scf.yield %parallel_loop3A_69#0, %parallel_loop3A_69#1, %parallel_loop3A_69#2, %parallel_loop3A_69#3, %parallel_loop3A_69#4, %parallel_loop3A_69#5, %parallel_loop3A_69#6, %parallel_loop3A_69#7 : vector<16xf32>, vector<16xf32>, vector<16xf32>, vector<16xf32>, vector<16xf32>, vector<16xf32>, vector<16xf32>, vector<16xf32>
    }
    %scan3A_19 = arith.constant 3 : i32
    %max3A = arith.maximumf %scan3A_18#0, %scan3A_18#1 : vector<16xf32>
    %max3A_20 = arith.maximumf %scan3A_18#2, %scan3A_18#3 : vector<16xf32>
    %max3A_21 = arith.maximumf %scan3A_18#4, %scan3A_18#5 : vector<16xf32>
    %max3A_22 = arith.maximumf %scan3A_18#6, %scan3A_18#7 : vector<16xf32>
    %max3A_23 = arith.maximumf %max3A, %max3A_20 : vector<16xf32>
    %max3A_24 = arith.maximumf %max3A_21, %max3A_22 : vector<16xf32>
    %max3A_25 = arith.maximumf %max3A_23, %max3A_24 : vector<16xf32>
    %swap3A = arith.constant 0 : index
    %swap3A_26 = tpu.vector_load %arg6[%swap3A] {strides = array<i32>} : memref<16xf32, #tpu.memory_space<vmem>>, vector<16xf32>,
    %swap3A_27 = vector.shape_cast %swap3A_26 : vector<16xf32> to vector<16xf32>
    %swap3A_28 = vector.shape_cast %max3A_25 : vector<16xf32> to vector<16xf32>
    tpu.vector_store %arg6[%swap3A], %swap3A_28 {strides = array<i32>} : memref<16xf32, #tpu.memory_space<vmem>>, vector<16xf32>,
    "tpu.region"() ({
      %run_scoped3A = tpu.sem_alloc : memref<!tpu.dma_semaphore, #tpu.memory_space<semaphore_mem>>
      %dma_start3A_29 = arith.constant 0 : i32
      %dma_start3A_30 = tpu.memref_slice %arg3[%add3A, %dma_start3A_29] : memref<32x16xf32, #tpu.memory_space<hbm>> -> memref<1x16xf32, #tpu.memory_space<hbm>>
      %dma_start3A_31 = tpu.memref_squeeze %dma_start3A_30 : memref<1x16xf32, #tpu.memory_space<hbm>> -> memref<16xf32, #tpu.memory_space<hbm>>
      %dma_start3A_32 = arith.constant 0 : i32
      %dma_start3A_33 = tpu.memref_slice %arg3[%add3A, %dma_start3A_32] : memref<32x16xf32, #tpu.memory_space<hbm>> -> memref<1x16xf32, #tpu.memory_space<hbm>>
      %dma_start3A_34 = tpu.memref_squeeze %dma_start3A_33 : memref<1x16xf32, #tpu.memory_space<hbm>> -> memref<16xf32, #tpu.memory_space<hbm>>
      tpu.enqueue_dma source(%arg6 : memref<16xf32, #tpu.memory_space<vmem>>) target(%dma_start3A_34 : memref<16xf32, #tpu.memory_space<hbm>>) target_semaphore(%run_scoped3A : memref<!tpu.dma_semaphore, #tpu.memory_space<semaphore_mem>>)
      %dma_wait3A = arith.constant 0 : i32
      %dma_wait3A_35 = tpu.memref_slice %arg3[%add3A, %dma_wait3A] : memref<32x16xf32, #tpu.memory_space<hbm>> -> memref<1x16xf32, #tpu.memory_space<hbm>>
      %dma_wait3A_36 = tpu.memref_squeeze %dma_wait3A_35 : memref<1x16xf32, #tpu.memory_space<hbm>> -> memref<16xf32, #tpu.memory_space<hbm>>
      %dma_wait3A_37 = arith.constant 0 : i32
      %dma_wait3A_38 = tpu.memref_slice %arg3[%add3A, %dma_wait3A_37] : memref<32x16xf32, #tpu.memory_space<hbm>> -> memref<1x16xf32, #tpu.memory_space<hbm>>
      %dma_wait3A_39 = tpu.memref_squeeze %dma_wait3A_38 : memref<1x16xf32, #tpu.memory_space<hbm>> -> memref<16xf32, #tpu.memory_space<hbm>>
      tpu.wait_dma2 semaphore(%run_scoped3A : memref<!tpu.dma_semaphore, #tpu.memory_space<semaphore_mem>>) src(%arg6 : memref<16xf32, #tpu.memory_space<vmem>>) dst(%dma_wait3A_39 : memref<16xf32, #tpu.memory_space<hbm>>)
      tpu.yield
    }) : () -> ()
    return
  }
}

module attributes {stable_mosaic.version = 14 : i64} {
  func.func @_combine_kernel(%arg0: memref<32x16xf32, #tpu.memory_space<vmem>>, %arg1: memref<8x1024xf32, #tpu.memory_space<vmem>>, %arg2: memref<1x1xf32, #tpu.memory_space<smem>>) attributes {dimension_semantics = [], scalar_prefetch = 0 : i64, scratch_operands = 0 : i64, tpu.core_type = #tpu.core_type<tc>} {
    %get3A = arith.constant 0 : index
    %get3A_0 = arith.constant 0 : index
    %get3A_1 = vector.load %arg0[%get3A, %get3A_0] : memref<32x16xf32, #tpu.memory_space<vmem>>, vector<32x16xf32>
    %reduce_max3A = vector.shape_cast %get3A_1 : vector<32x16xf32> to vector<1x32x16xf32>
    %reduce_max3A_2 = arith.constant dense<0xFF800000> : vector<1xf32>
    %reduce_max3A_3 = vector.multi_reduction <maximumf>, %reduce_max3A, %reduce_max3A_2 [1, 2] : vector<1x32x16xf32> to vector<1xf32>
    %reduce_max3A_4 = vector.shape_cast %reduce_max3A_3 : vector<1xf32> to vector<1x1x1xf32>
    %reduce_max3A_5 = vector.extract %reduce_max3A_4[0, 0, 0] : f32 from vector<1x1x1xf32>
    %get3A_6 = arith.constant 0 : index
    %get3A_7 = arith.constant 0 : index
    %get3A_8 = vector.load %arg1[%get3A_6, %get3A_7] : memref<8x1024xf32, #tpu.memory_space<vmem>>, vector<8x1024xf32>
    %reduce_max3A_9 = vector.shape_cast %get3A_8 : vector<8x1024xf32> to vector<1x8x1024xf32>
    %reduce_max3A_10 = arith.constant dense<0xFF800000> : vector<1xf32>
    %reduce_max3A_11 = vector.multi_reduction <maximumf>, %reduce_max3A_9, %reduce_max3A_10 [1, 2] : vector<1x8x1024xf32> to vector<1xf32>
    %reduce_max3A_12 = vector.shape_cast %reduce_max3A_11 : vector<1xf32> to vector<1x1x1xf32>
    %reduce_max3A_13 = vector.extract %reduce_max3A_12[0, 0, 0] : f32 from vector<1x1x1xf32>
    %max3A = arith.maximumf %reduce_max3A_5, %reduce_max3A_13 : f32
    %swap3A = arith.constant 0 : index
    %swap3A_14 = arith.constant 0 : index
    %swap3A_15 = memref.load %arg2[%swap3A, %swap3A_14] : memref<1x1xf32, #tpu.memory_space<smem>>
    memref.store %max3A, %arg2[%swap3A, %swap3A_14] : memref<1x1xf32, #tpu.memory_space<smem>>
    return
  }
}

module attributes {stable_mosaic.version = 14 : i64} {
  func.func @tc_kernel(%arg0: memref<32768x1024xf32, #tpu.memory_space<any>>, %arg1: memref<8x1024xf32, #tpu.memory_space<vmem>>, %arg2: memref<512x1024xf32, #tpu.memory_space<vmem>>, %arg3: memref<512x1024xf32, #tpu.memory_space<vmem>>, %arg4: memref<512x1024xf32, #tpu.memory_space<vmem>>, %arg5: memref<512x1024xf32, #tpu.memory_space<vmem>>, %arg6: memref<!tpu.dma_semaphore, #tpu.memory_space<semaphore_mem>>, %arg7: memref<!tpu.dma_semaphore, #tpu.memory_space<semaphore_mem>>, %arg8: memref<!tpu.dma_semaphore, #tpu.memory_space<semaphore_mem>>, %arg9: memref<!tpu.dma_semaphore, #tpu.memory_space<semaphore_mem>>) attributes {dimension_semantics = [], scalar_prefetch = 0 : i64, scratch_operands = 8 : i64, tpu.core_type = #tpu.core_type<tc>} {
    %dma_start3A = arith.constant 6144 : i32
    %dma_start3A_0 = arith.constant 0 : i32
    %dma_start3A_1 = tpu.memref_slice %arg0[%dma_start3A, %dma_start3A_0] : memref<32768x1024xf32, #tpu.memory_space<any>> -> memref<512x1024xf32, #tpu.memory_space<any>>
    tpu.enqueue_dma source(%dma_start3A_1 : memref<512x1024xf32, #tpu.memory_space<any>>) target(%arg2 : memref<512x1024xf32, #tpu.memory_space<vmem>>) target_semaphore(%arg6 : memref<!tpu.dma_semaphore, #tpu.memory_space<semaphore_mem>>)
    %dma_start3A_2 = arith.constant 6656 : i32
    %dma_start3A_3 = arith.constant 0 : i32
    %dma_start3A_4 = tpu.memref_slice %arg0[%dma_start3A_2, %dma_start3A_3] : memref<32768x1024xf32, #tpu.memory_space<any>> -> memref<512x1024xf32, #tpu.memory_space<any>>
    tpu.enqueue_dma source(%dma_start3A_4 : memref<512x1024xf32, #tpu.memory_space<any>>) target(%arg3 : memref<512x1024xf32, #tpu.memory_space<vmem>>) target_semaphore(%arg7 : memref<!tpu.dma_semaphore, #tpu.memory_space<semaphore_mem>>)
    %dma_start3A_5 = arith.constant 7168 : i32
    %dma_start3A_6 = arith.constant 0 : i32
    %dma_start3A_7 = tpu.memref_slice %arg0[%dma_start3A_5, %dma_start3A_6] : memref<32768x1024xf32, #tpu.memory_space<any>> -> memref<512x1024xf32, #tpu.memory_space<any>>
    tpu.enqueue_dma source(%dma_start3A_7 : memref<512x1024xf32, #tpu.memory_space<any>>) target(%arg4 : memref<512x1024xf32, #tpu.memory_space<vmem>>) target_semaphore(%arg8 : memref<!tpu.dma_semaphore, #tpu.memory_space<semaphore_mem>>)
    %dma_start3A_8 = arith.constant 7680 : i32
    %dma_start3A_9 = arith.constant 0 : i32
    %dma_start3A_10 = tpu.memref_slice %arg0[%dma_start3A_8, %dma_start3A_9] : memref<32768x1024xf32, #tpu.memory_space<any>> -> memref<512x1024xf32, #tpu.memory_space<any>>
    tpu.enqueue_dma source(%dma_start3A_10 : memref<512x1024xf32, #tpu.memory_space<any>>) target(%arg5 : memref<512x1024xf32, #tpu.memory_space<vmem>>) target_semaphore(%arg9 : memref<!tpu.dma_semaphore, #tpu.memory_space<semaphore_mem>>)
    %broadcast_in_dim3A = arith.constant 0xFF800000 : f32
    %broadcast_in_dim3A_11 = vector.broadcast %broadcast_in_dim3A : f32 to vector<8x1024xf32>
    %scan3A = arith.constant 0 : i32
    %scan3A_12 = arith.constant 13 : i32
    %scan3A_13 = arith.addi %scan3A, %scan3A_12 : i32
    %scan3A_14 = arith.constant 1 : i32
    %scan3A_15:4 = scf.for %scan3A_21 = %scan3A to %scan3A_13 step %scan3A_14 iter_args(%scan3A_22 = %broadcast_in_dim3A_11, %scan3A_23 = %broadcast_in_dim3A_11, %scan3A_24 = %broadcast_in_dim3A_11, %scan3A_25 = %broadcast_in_dim3A_11) -> (vector<8x1024xf32>, vector<8x1024xf32>, vector<8x1024xf32>, vector<8x1024xf32>)  : i32 {
      %mul3A = arith.constant 4 : i32
      %mul3A_26 = arith.muli %scan3A_21, %mul3A : i32
      %add3A = arith.constant 0 : i32
      %add3A_27 = arith.addi %mul3A_26, %add3A : i32
      %mul3A_28 = arith.constant 512 : i32
      %mul3A_29 = arith.muli %add3A_27, %mul3A_28 : i32
      %add3A_30 = arith.constant 6144 : i32
      %add3A_31 = arith.addi %add3A_30, %mul3A_29 : i32
      %dma_wait3A = arith.constant 0 : i32
      %dma_wait3A_32 = tpu.memref_slice %arg0[%add3A_31, %dma_wait3A] : memref<32768x1024xf32, #tpu.memory_space<any>> -> memref<512x1024xf32, #tpu.memory_space<any>>
      tpu.wait_dma2 semaphore(%arg6 : memref<!tpu.dma_semaphore, #tpu.memory_space<semaphore_mem>>) src(%dma_wait3A_32 : memref<512x1024xf32, #tpu.memory_space<any>>) dst(%arg2 : memref<512x1024xf32, #tpu.memory_space<vmem>>)
      %get3A = arith.constant 0 : index
      %get3A_33 = arith.constant 0 : index
      %get3A_34 = vector.load %arg2[%get3A, %get3A_33] : memref<512x1024xf32, #tpu.memory_space<vmem>>, vector<8x1024xf32>
      %max3A_35 = arith.maximumf %scan3A_22, %get3A_34 : vector<8x1024xf32>
      %get3A_36 = arith.constant 8 : index
      %get3A_37 = arith.constant 0 : index
      %get3A_38 = vector.load %arg2[%get3A_36, %get3A_37] : memref<512x1024xf32, #tpu.memory_space<vmem>>, vector<8x1024xf32>
      %max3A_39 = arith.maximumf %scan3A_23, %get3A_38 : vector<8x1024xf32>
      %get3A_40 = arith.constant 16 : index
      %get3A_41 = arith.constant 0 : index
      %get3A_42 = vector.load %arg2[%get3A_40, %get3A_41] : memref<512x1024xf32, #tpu.memory_space<vmem>>, vector<8x1024xf32>
      %max3A_43 = arith.maximumf %scan3A_24, %get3A_42 : vector<8x1024xf32>
      %get3A_44 = arith.constant 24 : index
      %get3A_45 = arith.constant 0 : index
      %get3A_46 = vector.load %arg2[%get3A_44, %get3A_45] : memref<512x1024xf32, #tpu.memory_space<vmem>>, vector<8x1024xf32>
      %max3A_47 = arith.maximumf %scan3A_25, %get3A_46 : vector<8x1024xf32>
      %get3A_48 = arith.constant 32 : index
      %get3A_49 = arith.constant 0 : index
      %get3A_50 = vector.load %arg2[%get3A_48, %get3A_49] : memref<512x1024xf32, #tpu.memory_space<vmem>>, vector<8x1024xf32>
      %max3A_51 = arith.maximumf %max3A_35, %get3A_50 : vector<8x1024xf32>
      %get3A_52 = arith.constant 40 : index
      %get3A_53 = arith.constant 0 : index
      %get3A_54 = vector.load %arg2[%get3A_52, %get3A_53] : memref<512x1024xf32, #tpu.memory_space<vmem>>, vector<8x1024xf32>
      %max3A_55 = arith.maximumf %max3A_39, %get3A_54 : vector<8x1024xf32>
      %get3A_56 = arith.constant 48 : index
      %get3A_57 = arith.constant 0 : index
      %get3A_58 = vector.load %arg2[%get3A_56, %get3A_57] : memref<512x1024xf32, #tpu.memory_space<vmem>>, vector<8x1024xf32>
      %max3A_59 = arith.maximumf %max3A_43, %get3A_58 : vector<8x1024xf32>
      %get3A_60 = arith.constant 56 : index
      %get3A_61 = arith.constant 0 : index
      %get3A_62 = vector.load %arg2[%get3A_60, %get3A_61] : memref<512x1024xf32, #tpu.memory_space<vmem>>, vector<8x1024xf32>
      %max3A_63 = arith.maximumf %max3A_47, %get3A_62 : vector<8x1024xf32>
      %get3A_64 = arith.constant 64 : index
      %get3A_65 = arith.constant 0 : index
      %get3A_66 = vector.load %arg2[%get3A_64, %get3A_65] : memref<512x1024xf32, #tpu.memory_space<vmem>>, vector<8x1024xf32>
      %max3A_67 = arith.maximumf %max3A_51, %get3A_66 : vector<8x1024xf32>
      %get3A_68 = arith.constant 72 : index
      %get3A_69 = arith.constant 0 : index
      %get3A_70 = vector.load %arg2[%get3A_68, %get3A_69] : memref<512x1024xf32, #tpu.memory_space<vmem>>, vector<8x1024xf32>
      %max3A_71 = arith.maximumf %max3A_55, %get3A_70 : vector<8x1024xf32>
      %get3A_72 = arith.constant 80 : index
      %get3A_73 = arith.constant 0 : index
      %get3A_74 = vector.load %arg2[%get3A_72, %get3A_73] : memref<512x1024xf32, #tpu.memory_space<vmem>>, vector<8x1024xf32>
      %max3A_75 = arith.maximumf %max3A_59, %get3A_74 : vector<8x1024xf32>
      %get3A_76 = arith.constant 88 : index
      %get3A_77 = arith.constant 0 : index
      %get3A_78 = vector.load %arg2[%get3A_76, %get3A_77] : memref<512x1024xf32, #tpu.memory_space<vmem>>, vector<8x1024xf32>
      %max3A_79 = arith.maximumf %max3A_63, %get3A_78 : vector<8x1024xf32>
      %get3A_80 = arith.constant 96 : index
      %get3A_81 = arith.constant 0 : index
      %get3A_82 = vector.load %arg2[%get3A_80, %get3A_81] : memref<512x1024xf32, #tpu.memory_space<vmem>>, vector<8x1024xf32>
      %max3A_83 = arith.maximumf %max3A_67, %get3A_82 : vector<8x1024xf32>
      %get3A_84 = arith.constant 104 : index
      %get3A_85 = arith.constant 0 : index
      %get3A_86 = vector.load %arg2[%get3A_84, %get3A_85] : memref<512x1024xf32, #tpu.memory_space<vmem>>, vector<8x1024xf32>
      %max3A_87 = arith.maximumf %max3A_71, %get3A_86 : vector<8x1024xf32>
      %get3A_88 = arith.constant 112 : index
      %get3A_89 = arith.constant 0 : index
      %get3A_90 = vector.load %arg2[%get3A_88, %get3A_89] : memref<512x1024xf32, #tpu.memory_space<vmem>>, vector<8x1024xf32>
      %max3A_91 = arith.maximumf %max3A_75, %get3A_90 : vector<8x1024xf32>
      %get3A_92 = arith.constant 120 : index
      %get3A_93 = arith.constant 0 : index
      %get3A_94 = vector.load %arg2[%get3A_92, %get3A_93] : memref<512x1024xf32, #tpu.memory_space<vmem>>, vector<8x1024xf32>
      %max3A_95 = arith.maximumf %max3A_79, %get3A_94 : vector<8x1024xf32>
      %get3A_96 = arith.constant 128 : index
      %get3A_97 = arith.constant 0 : index
      %get3A_98 = vector.load %arg2[%get3A_96, %get3A_97] : memref<512x1024xf32, #tpu.memory_space<vmem>>, vector<8x1024xf32>
      %max3A_99 = arith.maximumf %max3A_83, %get3A_98 : vector<8x1024xf32>
      %get3A_100 = arith.constant 136 : index
      %get3A_101 = arith.constant 0 : index
      %get3A_102 = vector.load %arg2[%get3A_100, %get3A_101] : memref<512x1024xf32, #tpu.memory_space<vmem>>, vector<8x1024xf32>
      %max3A_103 = arith.maximumf %max3A_87, %get3A_102 : vector<8x1024xf32>
      %get3A_104 = arith.constant 144 : index
      %get3A_105 = arith.constant 0 : index
      %get3A_106 = vector.load %arg2[%get3A_104, %get3A_105] : memref<512x1024xf32, #tpu.memory_space<vmem>>, vector<8x1024xf32>
      %max3A_107 = arith.maximumf %max3A_91, %get3A_106 : vector<8x1024xf32>
      %get3A_108 = arith.constant 152 : index
      %get3A_109 = arith.constant 0 : index
      %get3A_110 = vector.load %arg2[%get3A_108, %get3A_109] : memref<512x1024xf32, #tpu.memory_space<vmem>>, vector<8x1024xf32>
      %max3A_111 = arith.maximumf %max3A_95, %get3A_110 : vector<8x1024xf32>
      %get3A_112 = arith.constant 160 : index
      %get3A_113 = arith.constant 0 : index
      %get3A_114 = vector.load %arg2[%get3A_112, %get3A_113] : memref<512x1024xf32, #tpu.memory_space<vmem>>, vector<8x1024xf32>
      %max3A_115 = arith.maximumf %max3A_99, %get3A_114 : vector<8x1024xf32>
      %get3A_116 = arith.constant 168 : index
      %get3A_117 = arith.constant 0 : index
      %get3A_118 = vector.load %arg2[%get3A_116, %get3A_117] : memref<512x1024xf32, #tpu.memory_space<vmem>>, vector<8x1024xf32>
      %max3A_119 = arith.maximumf %max3A_103, %get3A_118 : vector<8x1024xf32>
      %get3A_120 = arith.constant 176 : index
      %get3A_121 = arith.constant 0 : index
      %get3A_122 = vector.load %arg2[%get3A_120, %get3A_121] : memref<512x1024xf32, #tpu.memory_space<vmem>>, vector<8x1024xf32>
      %max3A_123 = arith.maximumf %max3A_107, %get3A_122 : vector<8x1024xf32>
      %get3A_124 = arith.constant 184 : index
      %get3A_125 = arith.constant 0 : index
      %get3A_126 = vector.load %arg2[%get3A_124, %get3A_125] : memref<512x1024xf32, #tpu.memory_space<vmem>>, vector<8x1024xf32>
      %max3A_127 = arith.maximumf %max3A_111, %get3A_126 : vector<8x1024xf32>
      %get3A_128 = arith.constant 192 : index
      %get3A_129 = arith.constant 0 : index
      %get3A_130 = vector.load %arg2[%get3A_128, %get3A_129] : memref<512x1024xf32, #tpu.memory_space<vmem>>, vector<8x1024xf32>
      %max3A_131 = arith.maximumf %max3A_115, %get3A_130 : vector<8x1024xf32>
      %get3A_132 = arith.constant 200 : index
      %get3A_133 = arith.constant 0 : index
      %get3A_134 = vector.load %arg2[%get3A_132, %get3A_133] : memref<512x1024xf32, #tpu.memory_space<vmem>>, vector<8x1024xf32>
      %max3A_135 = arith.maximumf %max3A_119, %get3A_134 : vector<8x1024xf32>
      %get3A_136 = arith.constant 208 : index
      %get3A_137 = arith.constant 0 : index
      %get3A_138 = vector.load %arg2[%get3A_136, %get3A_137] : memref<512x1024xf32, #tpu.memory_space<vmem>>, vector<8x1024xf32>
      %max3A_139 = arith.maximumf %max3A_123, %get3A_138 : vector<8x1024xf32>
      %get3A_140 = arith.constant 216 : index
      %get3A_141 = arith.constant 0 : index
      %get3A_142 = vector.load %arg2[%get3A_140, %get3A_141] : memref<512x1024xf32, #tpu.memory_space<vmem>>, vector<8x1024xf32>
      %max3A_143 = arith.maximumf %max3A_127, %get3A_142 : vector<8x1024xf32>
      %get3A_144 = arith.constant 224 : index
      %get3A_145 = arith.constant 0 : index
      %get3A_146 = vector.load %arg2[%get3A_144, %get3A_145] : memref<512x1024xf32, #tpu.memory_space<vmem>>, vector<8x1024xf32>
      %max3A_147 = arith.maximumf %max3A_131, %get3A_146 : vector<8x1024xf32>
      %get3A_148 = arith.constant 232 : index
      %get3A_149 = arith.constant 0 : index
      %get3A_150 = vector.load %arg2[%get3A_148, %get3A_149] : memref<512x1024xf32, #tpu.memory_space<vmem>>, vector<8x1024xf32>
      %max3A_151 = arith.maximumf %max3A_135, %get3A_150 : vector<8x1024xf32>
      %get3A_152 = arith.constant 240 : index
      %get3A_153 = arith.constant 0 : index
      %get3A_154 = vector.load %arg2[%get3A_152, %get3A_153] : memref<512x1024xf32, #tpu.memory_space<vmem>>, vector<8x1024xf32>
      %max3A_155 = arith.maximumf %max3A_139, %get3A_154 : vector<8x1024xf32>
      %get3A_156 = arith.constant 248 : index
      %get3A_157 = arith.constant 0 : index
      %get3A_158 = vector.load %arg2[%get3A_156, %get3A_157] : memref<512x1024xf32, #tpu.memory_space<vmem>>, vector<8x1024xf32>
      %max3A_159 = arith.maximumf %max3A_143, %get3A_158 : vector<8x1024xf32>
      %get3A_160 = arith.constant 256 : index
      %get3A_161 = arith.constant 0 : index
      %get3A_162 = vector.load %arg2[%get3A_160, %get3A_161] : memref<512x1024xf32, #tpu.memory_space<vmem>>, vector<8x1024xf32>
      %max3A_163 = arith.maximumf %max3A_147, %get3A_162 : vector<8x1024xf32>
      %get3A_164 = arith.constant 264 : index
      %get3A_165 = arith.constant 0 : index
      %get3A_166 = vector.load %arg2[%get3A_164, %get3A_165] : memref<512x1024xf32, #tpu.memory_space<vmem>>, vector<8x1024xf32>
      %max3A_167 = arith.maximumf %max3A_151, %get3A_166 : vector<8x1024xf32>
      %get3A_168 = arith.constant 272 : index
      %get3A_169 = arith.constant 0 : index
      %get3A_170 = vector.load %arg2[%get3A_168, %get3A_169] : memref<512x1024xf32, #tpu.memory_space<vmem>>, vector<8x1024xf32>
      %max3A_171 = arith.maximumf %max3A_155, %get3A_170 : vector<8x1024xf32>
      %get3A_172 = arith.constant 280 : index
      %get3A_173 = arith.constant 0 : index
      %get3A_174 = vector.load %arg2[%get3A_172, %get3A_173] : memref<512x1024xf32, #tpu.memory_space<vmem>>, vector<8x1024xf32>
      %max3A_175 = arith.maximumf %max3A_159, %get3A_174 : vector<8x1024xf32>
      %get3A_176 = arith.constant 288 : index
      %get3A_177 = arith.constant 0 : index
      %get3A_178 = vector.load %arg2[%get3A_176, %get3A_177] : memref<512x1024xf32, #tpu.memory_space<vmem>>, vector<8x1024xf32>
      %max3A_179 = arith.maximumf %max3A_163, %get3A_178 : vector<8x1024xf32>
      %get3A_180 = arith.constant 296 : index
      %get3A_181 = arith.constant 0 : index
      %get3A_182 = vector.load %arg2[%get3A_180, %get3A_181] : memref<512x1024xf32, #tpu.memory_space<vmem>>, vector<8x1024xf32>
      %max3A_183 = arith.maximumf %max3A_167, %get3A_182 : vector<8x1024xf32>
      %get3A_184 = arith.constant 304 : index
      %get3A_185 = arith.constant 0 : index
      %get3A_186 = vector.load %arg2[%get3A_184, %get3A_185] : memref<512x1024xf32, #tpu.memory_space<vmem>>, vector<8x1024xf32>
      %max3A_187 = arith.maximumf %max3A_171, %get3A_186 : vector<8x1024xf32>
      %get3A_188 = arith.constant 312 : index
      %get3A_189 = arith.constant 0 : index
      %get3A_190 = vector.load %arg2[%get3A_188, %get3A_189] : memref<512x1024xf32, #tpu.memory_space<vmem>>, vector<8x1024xf32>
      %max3A_191 = arith.maximumf %max3A_175, %get3A_190 : vector<8x1024xf32>
      %get3A_192 = arith.constant 320 : index
      %get3A_193 = arith.constant 0 : index
      %get3A_194 = vector.load %arg2[%get3A_192, %get3A_193] : memref<512x1024xf32, #tpu.memory_space<vmem>>, vector<8x1024xf32>
      %max3A_195 = arith.maximumf %max3A_179, %get3A_194 : vector<8x1024xf32>
      %get3A_196 = arith.constant 328 : index
      %get3A_197 = arith.constant 0 : index
      %get3A_198 = vector.load %arg2[%get3A_196, %get3A_197] : memref<512x1024xf32, #tpu.memory_space<vmem>>, vector<8x1024xf32>
      %max3A_199 = arith.maximumf %max3A_183, %get3A_198 : vector<8x1024xf32>
      %get3A_200 = arith.constant 336 : index
      %get3A_201 = arith.constant 0 : index
      %get3A_202 = vector.load %arg2[%get3A_200, %get3A_201] : memref<512x1024xf32, #tpu.memory_space<vmem>>, vector<8x1024xf32>
      %max3A_203 = arith.maximumf %max3A_187, %get3A_202 : vector<8x1024xf32>
      %get3A_204 = arith.constant 344 : index
      %get3A_205 = arith.constant 0 : index
      %get3A_206 = vector.load %arg2[%get3A_204, %get3A_205] : memref<512x1024xf32, #tpu.memory_space<vmem>>, vector<8x1024xf32>
      %max3A_207 = arith.maximumf %max3A_191, %get3A_206 : vector<8x1024xf32>
      %get3A_208 = arith.constant 352 : index
      %get3A_209 = arith.constant 0 : index
      %get3A_210 = vector.load %arg2[%get3A_208, %get3A_209] : memref<512x1024xf32, #tpu.memory_space<vmem>>, vector<8x1024xf32>
      %max3A_211 = arith.maximumf %max3A_195, %get3A_210 : vector<8x1024xf32>
      %get3A_212 = arith.constant 360 : index
      %get3A_213 = arith.constant 0 : index
      %get3A_214 = vector.load %arg2[%get3A_212, %get3A_213] : memref<512x1024xf32, #tpu.memory_space<vmem>>, vector<8x1024xf32>
      %max3A_215 = arith.maximumf %max3A_199, %get3A_214 : vector<8x1024xf32>
      %get3A_216 = arith.constant 368 : index
      %get3A_217 = arith.constant 0 : index
      %get3A_218 = vector.load %arg2[%get3A_216, %get3A_217] : memref<512x1024xf32, #tpu.memory_space<vmem>>, vector<8x1024xf32>
      %max3A_219 = arith.maximumf %max3A_203, %get3A_218 : vector<8x1024xf32>
      %get3A_220 = arith.constant 376 : index
      %get3A_221 = arith.constant 0 : index
      %get3A_222 = vector.load %arg2[%get3A_220, %get3A_221] : memref<512x1024xf32, #tpu.memory_space<vmem>>, vector<8x1024xf32>
      %max3A_223 = arith.maximumf %max3A_207, %get3A_222 : vector<8x1024xf32>
      %get3A_224 = arith.constant 384 : index
      %get3A_225 = arith.constant 0 : index
      %get3A_226 = vector.load %arg2[%get3A_224, %get3A_225] : memref<512x1024xf32, #tpu.memory_space<vmem>>, vector<8x1024xf32>
      %max3A_227 = arith.maximumf %max3A_211, %get3A_226 : vector<8x1024xf32>
      %get3A_228 = arith.constant 392 : index
      %get3A_229 = arith.constant 0 : index
      %get3A_230 = vector.load %arg2[%get3A_228, %get3A_229] : memref<512x1024xf32, #tpu.memory_space<vmem>>, vector<8x1024xf32>
      %max3A_231 = arith.maximumf %max3A_215, %get3A_230 : vector<8x1024xf32>
      %get3A_232 = arith.constant 400 : index
      %get3A_233 = arith.constant 0 : index
      %get3A_234 = vector.load %arg2[%get3A_232, %get3A_233] : memref<512x1024xf32, #tpu.memory_space<vmem>>, vector<8x1024xf32>
      %max3A_235 = arith.maximumf %max3A_219, %get3A_234 : vector<8x1024xf32>
      %get3A_236 = arith.constant 408 : index
      %get3A_237 = arith.constant 0 : index
      %get3A_238 = vector.load %arg2[%get3A_236, %get3A_237] : memref<512x1024xf32, #tpu.memory_space<vmem>>, vector<8x1024xf32>
      %max3A_239 = arith.maximumf %max3A_223, %get3A_238 : vector<8x1024xf32>
      %get3A_240 = arith.constant 416 : index
      %get3A_241 = arith.constant 0 : index
      %get3A_242 = vector.load %arg2[%get3A_240, %get3A_241] : memref<512x1024xf32, #tpu.memory_space<vmem>>, vector<8x1024xf32>
      %max3A_243 = arith.maximumf %max3A_227, %get3A_242 : vector<8x1024xf32>
      %get3A_244 = arith.constant 424 : index
      %get3A_245 = arith.constant 0 : index
      %get3A_246 = vector.load %arg2[%get3A_244, %get3A_245] : memref<512x1024xf32, #tpu.memory_space<vmem>>, vector<8x1024xf32>
      %max3A_247 = arith.maximumf %max3A_231, %get3A_246 : vector<8x1024xf32>
      %get3A_248 = arith.constant 432 : index
      %get3A_249 = arith.constant 0 : index
      %get3A_250 = vector.load %arg2[%get3A_248, %get3A_249] : memref<512x1024xf32, #tpu.memory_space<vmem>>, vector<8x1024xf32>
      %max3A_251 = arith.maximumf %max3A_235, %get3A_250 : vector<8x1024xf32>
      %get3A_252 = arith.constant 440 : index
      %get3A_253 = arith.constant 0 : index
      %get3A_254 = vector.load %arg2[%get3A_252, %get3A_253] : memref<512x1024xf32, #tpu.memory_space<vmem>>, vector<8x1024xf32>
      %max3A_255 = arith.maximumf %max3A_239, %get3A_254 : vector<8x1024xf32>
      %get3A_256 = arith.constant 448 : index
      %get3A_257 = arith.constant 0 : index
      %get3A_258 = vector.load %arg2[%get3A_256, %get3A_257] : memref<512x1024xf32, #tpu.memory_space<vmem>>, vector<8x1024xf32>
      %max3A_259 = arith.maximumf %max3A_243, %get3A_258 : vector<8x1024xf32>
      %get3A_260 = arith.constant 456 : index
      %get3A_261 = arith.constant 0 : index
      %get3A_262 = vector.load %arg2[%get3A_260, %get3A_261] : memref<512x1024xf32, #tpu.memory_space<vmem>>, vector<8x1024xf32>
      %max3A_263 = arith.maximumf %max3A_247, %get3A_262 : vector<8x1024xf32>
      %get3A_264 = arith.constant 464 : index
      %get3A_265 = arith.constant 0 : index
      %get3A_266 = vector.load %arg2[%get3A_264, %get3A_265] : memref<512x1024xf32, #tpu.memory_space<vmem>>, vector<8x1024xf32>
      %max3A_267 = arith.maximumf %max3A_251, %get3A_266 : vector<8x1024xf32>
      %get3A_268 = arith.constant 472 : index
      %get3A_269 = arith.constant 0 : index
      %get3A_270 = vector.load %arg2[%get3A_268, %get3A_269] : memref<512x1024xf32, #tpu.memory_space<vmem>>, vector<8x1024xf32>
      %max3A_271 = arith.maximumf %max3A_255, %get3A_270 : vector<8x1024xf32>
      %get3A_272 = arith.constant 480 : index
      %get3A_273 = arith.constant 0 : index
      %get3A_274 = vector.load %arg2[%get3A_272, %get3A_273] : memref<512x1024xf32, #tpu.memory_space<vmem>>, vector<8x1024xf32>
      %max3A_275 = arith.maximumf %max3A_259, %get3A_274 : vector<8x1024xf32>
      %get3A_276 = arith.constant 488 : index
      %get3A_277 = arith.constant 0 : index
      %get3A_278 = vector.load %arg2[%get3A_276, %get3A_277] : memref<512x1024xf32, #tpu.memory_space<vmem>>, vector<8x1024xf32>
      %max3A_279 = arith.maximumf %max3A_263, %get3A_278 : vector<8x1024xf32>
      %get3A_280 = arith.constant 496 : index
      %get3A_281 = arith.constant 0 : index
      %get3A_282 = vector.load %arg2[%get3A_280, %get3A_281] : memref<512x1024xf32, #tpu.memory_space<vmem>>, vector<8x1024xf32>
      %max3A_283 = arith.maximumf %max3A_267, %get3A_282 : vector<8x1024xf32>
      %get3A_284 = arith.constant 504 : index
      %get3A_285 = arith.constant 0 : index
      %get3A_286 = vector.load %arg2[%get3A_284, %get3A_285] : memref<512x1024xf32, #tpu.memory_space<vmem>>, vector<8x1024xf32>
      %max3A_287 = arith.maximumf %max3A_271, %get3A_286 : vector<8x1024xf32>
      %add3A_288 = arith.constant 4 : i32
      %add3A_289 = arith.addi %add3A_27, %add3A_288 : i32
      %lt3A = arith.constant 52 : i32
      %lt3A_290 = arith.cmpi slt, %add3A_289, %lt3A : i32
      %convert_element_type3A = arith.extui %lt3A_290 : i1 to i32
      %cond3A = arith.constant 0 : i32
      %cond3A_291 = arith.cmpi ne, %convert_element_type3A, %cond3A : i32
      scf.if %cond3A_291 {
        %add3A_1111 = arith.constant 4 : i32
        %add3A_1112 = arith.addi %add3A_27, %add3A_1111 : i32
        %mul3A_1113 = arith.constant 512 : i32
        %mul3A_1114 = arith.muli %add3A_1112, %mul3A_1113 : i32
        %add3A_1115 = arith.constant 6144 : i32
        %add3A_1116 = arith.addi %add3A_1115, %mul3A_1114 : i32
        %dma_start3A_1117 = arith.constant 0 : i32
        %dma_start3A_1118 = tpu.memref_slice %arg0[%add3A_1116, %dma_start3A_1117] : memref<32768x1024xf32, #tpu.memory_space<any>> -> memref<512x1024xf32, #tpu.memory_space<any>>
        tpu.enqueue_dma source(%dma_start3A_1118 : memref<512x1024xf32, #tpu.memory_space<any>>) target(%arg2 : memref<512x1024xf32, #tpu.memory_space<vmem>>) target_semaphore(%arg6 : memref<!tpu.dma_semaphore, #tpu.memory_space<semaphore_mem>>)
      } else {
      }
      %mul3A_292 = arith.constant 4 : i32
      %mul3A_293 = arith.muli %scan3A_21, %mul3A_292 : i32
      %add3A_294 = arith.constant 1 : i32
      %add3A_295 = arith.addi %mul3A_293, %add3A_294 : i32
      %mul3A_296 = arith.constant 512 : i32
      %mul3A_297 = arith.muli %add3A_295, %mul3A_296 : i32
      %add3A_298 = arith.constant 6144 : i32
      %add3A_299 = arith.addi %add3A_298, %mul3A_297 : i32
      %dma_wait3A_300 = arith.constant 0 : i32
      %dma_wait3A_301 = tpu.memref_slice %arg0[%add3A_299, %dma_wait3A_300] : memref<32768x1024xf32, #tpu.memory_space<any>> -> memref<512x1024xf32, #tpu.memory_space<any>>
      tpu.wait_dma2 semaphore(%arg7 : memref<!tpu.dma_semaphore, #tpu.memory_space<semaphore_mem>>) src(%dma_wait3A_301 : memref<512x1024xf32, #tpu.memory_space<any>>) dst(%arg3 : memref<512x1024xf32, #tpu.memory_space<vmem>>)
      %get3A_302 = arith.constant 0 : index
      %get3A_303 = arith.constant 0 : index
      %get3A_304 = vector.load %arg3[%get3A_302, %get3A_303] : memref<512x1024xf32, #tpu.memory_space<vmem>>, vector<8x1024xf32>
      %max3A_305 = arith.maximumf %max3A_275, %get3A_304 : vector<8x1024xf32>
      %get3A_306 = arith.constant 8 : index
      %get3A_307 = arith.constant 0 : index
      %get3A_308 = vector.load %arg3[%get3A_306, %get3A_307] : memref<512x1024xf32, #tpu.memory_space<vmem>>, vector<8x1024xf32>
      %max3A_309 = arith.maximumf %max3A_279, %get3A_308 : vector<8x1024xf32>
      %get3A_310 = arith.constant 16 : index
      %get3A_311 = arith.constant 0 : index
      %get3A_312 = vector.load %arg3[%get3A_310, %get3A_311] : memref<512x1024xf32, #tpu.memory_space<vmem>>, vector<8x1024xf32>
      %max3A_313 = arith.maximumf %max3A_283, %get3A_312 : vector<8x1024xf32>
      %get3A_314 = arith.constant 24 : index
      %get3A_315 = arith.constant 0 : index
      %get3A_316 = vector.load %arg3[%get3A_314, %get3A_315] : memref<512x1024xf32, #tpu.memory_space<vmem>>, vector<8x1024xf32>
      %max3A_317 = arith.maximumf %max3A_287, %get3A_316 : vector<8x1024xf32>
      %get3A_318 = arith.constant 32 : index
      %get3A_319 = arith.constant 0 : index
      %get3A_320 = vector.load %arg3[%get3A_318, %get3A_319] : memref<512x1024xf32, #tpu.memory_space<vmem>>, vector<8x1024xf32>
      %max3A_321 = arith.maximumf %max3A_305, %get3A_320 : vector<8x1024xf32>
      %get3A_322 = arith.constant 40 : index
      %get3A_323 = arith.constant 0 : index
      %get3A_324 = vector.load %arg3[%get3A_322, %get3A_323] : memref<512x1024xf32, #tpu.memory_space<vmem>>, vector<8x1024xf32>
      %max3A_325 = arith.maximumf %max3A_309, %get3A_324 : vector<8x1024xf32>
      %get3A_326 = arith.constant 48 : index
      %get3A_327 = arith.constant 0 : index
      %get3A_328 = vector.load %arg3[%get3A_326, %get3A_327] : memref<512x1024xf32, #tpu.memory_space<vmem>>, vector<8x1024xf32>
      %max3A_329 = arith.maximumf %max3A_313, %get3A_328 : vector<8x1024xf32>
      %get3A_330 = arith.constant 56 : index
      %get3A_331 = arith.constant 0 : index
      %get3A_332 = vector.load %arg3[%get3A_330, %get3A_331] : memref<512x1024xf32, #tpu.memory_space<vmem>>, vector<8x1024xf32>
      %max3A_333 = arith.maximumf %max3A_317, %get3A_332 : vector<8x1024xf32>
      %get3A_334 = arith.constant 64 : index
      %get3A_335 = arith.constant 0 : index
      %get3A_336 = vector.load %arg3[%get3A_334, %get3A_335] : memref<512x1024xf32, #tpu.memory_space<vmem>>, vector<8x1024xf32>
      %max3A_337 = arith.maximumf %max3A_321, %get3A_336 : vector<8x1024xf32>
      %get3A_338 = arith.constant 72 : index
      %get3A_339 = arith.constant 0 : index
      %get3A_340 = vector.load %arg3[%get3A_338, %get3A_339] : memref<512x1024xf32, #tpu.memory_space<vmem>>, vector<8x1024xf32>
      %max3A_341 = arith.maximumf %max3A_325, %get3A_340 : vector<8x1024xf32>
      %get3A_342 = arith.constant 80 : index
      %get3A_343 = arith.constant 0 : index
      %get3A_344 = vector.load %arg3[%get3A_342, %get3A_343] : memref<512x1024xf32, #tpu.memory_space<vmem>>, vector<8x1024xf32>
      %max3A_345 = arith.maximumf %max3A_329, %get3A_344 : vector<8x1024xf32>
      %get3A_346 = arith.constant 88 : index
      %get3A_347 = arith.constant 0 : index
      %get3A_348 = vector.load %arg3[%get3A_346, %get3A_347] : memref<512x1024xf32, #tpu.memory_space<vmem>>, vector<8x1024xf32>
      %max3A_349 = arith.maximumf %max3A_333, %get3A_348 : vector<8x1024xf32>
      %get3A_350 = arith.constant 96 : index
      %get3A_351 = arith.constant 0 : index
      %get3A_352 = vector.load %arg3[%get3A_350, %get3A_351] : memref<512x1024xf32, #tpu.memory_space<vmem>>, vector<8x1024xf32>
      %max3A_353 = arith.maximumf %max3A_337, %get3A_352 : vector<8x1024xf32>
      %get3A_354 = arith.constant 104 : index
      %get3A_355 = arith.constant 0 : index
      %get3A_356 = vector.load %arg3[%get3A_354, %get3A_355] : memref<512x1024xf32, #tpu.memory_space<vmem>>, vector<8x1024xf32>
      %max3A_357 = arith.maximumf %max3A_341, %get3A_356 : vector<8x1024xf32>
      %get3A_358 = arith.constant 112 : index
      %get3A_359 = arith.constant 0 : index
      %get3A_360 = vector.load %arg3[%get3A_358, %get3A_359] : memref<512x1024xf32, #tpu.memory_space<vmem>>, vector<8x1024xf32>
      %max3A_361 = arith.maximumf %max3A_345, %get3A_360 : vector<8x1024xf32>
      %get3A_362 = arith.constant 120 : index
      %get3A_363 = arith.constant 0 : index
      %get3A_364 = vector.load %arg3[%get3A_362, %get3A_363] : memref<512x1024xf32, #tpu.memory_space<vmem>>, vector<8x1024xf32>
      %max3A_365 = arith.maximumf %max3A_349, %get3A_364 : vector<8x1024xf32>
      %get3A_366 = arith.constant 128 : index
      %get3A_367 = arith.constant 0 : index
      %get3A_368 = vector.load %arg3[%get3A_366, %get3A_367] : memref<512x1024xf32, #tpu.memory_space<vmem>>, vector<8x1024xf32>
      %max3A_369 = arith.maximumf %max3A_353, %get3A_368 : vector<8x1024xf32>
      %get3A_370 = arith.constant 136 : index
      %get3A_371 = arith.constant 0 : index
      %get3A_372 = vector.load %arg3[%get3A_370, %get3A_371] : memref<512x1024xf32, #tpu.memory_space<vmem>>, vector<8x1024xf32>
      %max3A_373 = arith.maximumf %max3A_357, %get3A_372 : vector<8x1024xf32>
      %get3A_374 = arith.constant 144 : index
      %get3A_375 = arith.constant 0 : index
      %get3A_376 = vector.load %arg3[%get3A_374, %get3A_375] : memref<512x1024xf32, #tpu.memory_space<vmem>>, vector<8x1024xf32>
      %max3A_377 = arith.maximumf %max3A_361, %get3A_376 : vector<8x1024xf32>
      %get3A_378 = arith.constant 152 : index
      %get3A_379 = arith.constant 0 : index
      %get3A_380 = vector.load %arg3[%get3A_378, %get3A_379] : memref<512x1024xf32, #tpu.memory_space<vmem>>, vector<8x1024xf32>
      %max3A_381 = arith.maximumf %max3A_365, %get3A_380 : vector<8x1024xf32>
      %get3A_382 = arith.constant 160 : index
      %get3A_383 = arith.constant 0 : index
      %get3A_384 = vector.load %arg3[%get3A_382, %get3A_383] : memref<512x1024xf32, #tpu.memory_space<vmem>>, vector<8x1024xf32>
      %max3A_385 = arith.maximumf %max3A_369, %get3A_384 : vector<8x1024xf32>
      %get3A_386 = arith.constant 168 : index
      %get3A_387 = arith.constant 0 : index
      %get3A_388 = vector.load %arg3[%get3A_386, %get3A_387] : memref<512x1024xf32, #tpu.memory_space<vmem>>, vector<8x1024xf32>
      %max3A_389 = arith.maximumf %max3A_373, %get3A_388 : vector<8x1024xf32>
      %get3A_390 = arith.constant 176 : index
      %get3A_391 = arith.constant 0 : index
      %get3A_392 = vector.load %arg3[%get3A_390, %get3A_391] : memref<512x1024xf32, #tpu.memory_space<vmem>>, vector<8x1024xf32>
      %max3A_393 = arith.maximumf %max3A_377, %get3A_392 : vector<8x1024xf32>
      %get3A_394 = arith.constant 184 : index
      %get3A_395 = arith.constant 0 : index
      %get3A_396 = vector.load %arg3[%get3A_394, %get3A_395] : memref<512x1024xf32, #tpu.memory_space<vmem>>, vector<8x1024xf32>
      %max3A_397 = arith.maximumf %max3A_381, %get3A_396 : vector<8x1024xf32>
      %get3A_398 = arith.constant 192 : index
      %get3A_399 = arith.constant 0 : index
      %get3A_400 = vector.load %arg3[%get3A_398, %get3A_399] : memref<512x1024xf32, #tpu.memory_space<vmem>>, vector<8x1024xf32>
      %max3A_401 = arith.maximumf %max3A_385, %get3A_400 : vector<8x1024xf32>
      %get3A_402 = arith.constant 200 : index
      %get3A_403 = arith.constant 0 : index
      %get3A_404 = vector.load %arg3[%get3A_402, %get3A_403] : memref<512x1024xf32, #tpu.memory_space<vmem>>, vector<8x1024xf32>
      %max3A_405 = arith.maximumf %max3A_389, %get3A_404 : vector<8x1024xf32>
      %get3A_406 = arith.constant 208 : index
      %get3A_407 = arith.constant 0 : index
      %get3A_408 = vector.load %arg3[%get3A_406, %get3A_407] : memref<512x1024xf32, #tpu.memory_space<vmem>>, vector<8x1024xf32>
      %max3A_409 = arith.maximumf %max3A_393, %get3A_408 : vector<8x1024xf32>
      %get3A_410 = arith.constant 216 : index
      %get3A_411 = arith.constant 0 : index
      %get3A_412 = vector.load %arg3[%get3A_410, %get3A_411] : memref<512x1024xf32, #tpu.memory_space<vmem>>, vector<8x1024xf32>
      %max3A_413 = arith.maximumf %max3A_397, %get3A_412 : vector<8x1024xf32>
      %get3A_414 = arith.constant 224 : index
      %get3A_415 = arith.constant 0 : index
      %get3A_416 = vector.load %arg3[%get3A_414, %get3A_415] : memref<512x1024xf32, #tpu.memory_space<vmem>>, vector<8x1024xf32>
      %max3A_417 = arith.maximumf %max3A_401, %get3A_416 : vector<8x1024xf32>
      %get3A_418 = arith.constant 232 : index
      %get3A_419 = arith.constant 0 : index
      %get3A_420 = vector.load %arg3[%get3A_418, %get3A_419] : memref<512x1024xf32, #tpu.memory_space<vmem>>, vector<8x1024xf32>
      %max3A_421 = arith.maximumf %max3A_405, %get3A_420 : vector<8x1024xf32>
      %get3A_422 = arith.constant 240 : index
      %get3A_423 = arith.constant 0 : index
      %get3A_424 = vector.load %arg3[%get3A_422, %get3A_423] : memref<512x1024xf32, #tpu.memory_space<vmem>>, vector<8x1024xf32>
      %max3A_425 = arith.maximumf %max3A_409, %get3A_424 : vector<8x1024xf32>
      %get3A_426 = arith.constant 248 : index
      %get3A_427 = arith.constant 0 : index
      %get3A_428 = vector.load %arg3[%get3A_426, %get3A_427] : memref<512x1024xf32, #tpu.memory_space<vmem>>, vector<8x1024xf32>
      %max3A_429 = arith.maximumf %max3A_413, %get3A_428 : vector<8x1024xf32>
      %get3A_430 = arith.constant 256 : index
      %get3A_431 = arith.constant 0 : index
      %get3A_432 = vector.load %arg3[%get3A_430, %get3A_431] : memref<512x1024xf32, #tpu.memory_space<vmem>>, vector<8x1024xf32>
      %max3A_433 = arith.maximumf %max3A_417, %get3A_432 : vector<8x1024xf32>
      %get3A_434 = arith.constant 264 : index
      %get3A_435 = arith.constant 0 : index
      %get3A_436 = vector.load %arg3[%get3A_434, %get3A_435] : memref<512x1024xf32, #tpu.memory_space<vmem>>, vector<8x1024xf32>
      %max3A_437 = arith.maximumf %max3A_421, %get3A_436 : vector<8x1024xf32>
      %get3A_438 = arith.constant 272 : index
      %get3A_439 = arith.constant 0 : index
      %get3A_440 = vector.load %arg3[%get3A_438, %get3A_439] : memref<512x1024xf32, #tpu.memory_space<vmem>>, vector<8x1024xf32>
      %max3A_441 = arith.maximumf %max3A_425, %get3A_440 : vector<8x1024xf32>
      %get3A_442 = arith.constant 280 : index
      %get3A_443 = arith.constant 0 : index
      %get3A_444 = vector.load %arg3[%get3A_442, %get3A_443] : memref<512x1024xf32, #tpu.memory_space<vmem>>, vector<8x1024xf32>
      %max3A_445 = arith.maximumf %max3A_429, %get3A_444 : vector<8x1024xf32>
      %get3A_446 = arith.constant 288 : index
      %get3A_447 = arith.constant 0 : index
      %get3A_448 = vector.load %arg3[%get3A_446, %get3A_447] : memref<512x1024xf32, #tpu.memory_space<vmem>>, vector<8x1024xf32>
      %max3A_449 = arith.maximumf %max3A_433, %get3A_448 : vector<8x1024xf32>
      %get3A_450 = arith.constant 296 : index
      %get3A_451 = arith.constant 0 : index
      %get3A_452 = vector.load %arg3[%get3A_450, %get3A_451] : memref<512x1024xf32, #tpu.memory_space<vmem>>, vector<8x1024xf32>
      %max3A_453 = arith.maximumf %max3A_437, %get3A_452 : vector<8x1024xf32>
      %get3A_454 = arith.constant 304 : index
      %get3A_455 = arith.constant 0 : index
      %get3A_456 = vector.load %arg3[%get3A_454, %get3A_455] : memref<512x1024xf32, #tpu.memory_space<vmem>>, vector<8x1024xf32>
      %max3A_457 = arith.maximumf %max3A_441, %get3A_456 : vector<8x1024xf32>
      %get3A_458 = arith.constant 312 : index
      %get3A_459 = arith.constant 0 : index
      %get3A_460 = vector.load %arg3[%get3A_458, %get3A_459] : memref<512x1024xf32, #tpu.memory_space<vmem>>, vector<8x1024xf32>
      %max3A_461 = arith.maximumf %max3A_445, %get3A_460 : vector<8x1024xf32>
      %get3A_462 = arith.constant 320 : index
      %get3A_463 = arith.constant 0 : index
      %get3A_464 = vector.load %arg3[%get3A_462, %get3A_463] : memref<512x1024xf32, #tpu.memory_space<vmem>>, vector<8x1024xf32>
      %max3A_465 = arith.maximumf %max3A_449, %get3A_464 : vector<8x1024xf32>
      %get3A_466 = arith.constant 328 : index
      %get3A_467 = arith.constant 0 : index
      %get3A_468 = vector.load %arg3[%get3A_466, %get3A_467] : memref<512x1024xf32, #tpu.memory_space<vmem>>, vector<8x1024xf32>
      %max3A_469 = arith.maximumf %max3A_453, %get3A_468 : vector<8x1024xf32>
      %get3A_470 = arith.constant 336 : index
      %get3A_471 = arith.constant 0 : index
      %get3A_472 = vector.load %arg3[%get3A_470, %get3A_471] : memref<512x1024xf32, #tpu.memory_space<vmem>>, vector<8x1024xf32>
      %max3A_473 = arith.maximumf %max3A_457, %get3A_472 : vector<8x1024xf32>
      %get3A_474 = arith.constant 344 : index
      %get3A_475 = arith.constant 0 : index
      %get3A_476 = vector.load %arg3[%get3A_474, %get3A_475] : memref<512x1024xf32, #tpu.memory_space<vmem>>, vector<8x1024xf32>
      %max3A_477 = arith.maximumf %max3A_461, %get3A_476 : vector<8x1024xf32>
      %get3A_478 = arith.constant 352 : index
      %get3A_479 = arith.constant 0 : index
      %get3A_480 = vector.load %arg3[%get3A_478, %get3A_479] : memref<512x1024xf32, #tpu.memory_space<vmem>>, vector<8x1024xf32>
      %max3A_481 = arith.maximumf %max3A_465, %get3A_480 : vector<8x1024xf32>
      %get3A_482 = arith.constant 360 : index
      %get3A_483 = arith.constant 0 : index
      %get3A_484 = vector.load %arg3[%get3A_482, %get3A_483] : memref<512x1024xf32, #tpu.memory_space<vmem>>, vector<8x1024xf32>
      %max3A_485 = arith.maximumf %max3A_469, %get3A_484 : vector<8x1024xf32>
      %get3A_486 = arith.constant 368 : index
      %get3A_487 = arith.constant 0 : index
      %get3A_488 = vector.load %arg3[%get3A_486, %get3A_487] : memref<512x1024xf32, #tpu.memory_space<vmem>>, vector<8x1024xf32>
      %max3A_489 = arith.maximumf %max3A_473, %get3A_488 : vector<8x1024xf32>
      %get3A_490 = arith.constant 376 : index
      %get3A_491 = arith.constant 0 : index
      %get3A_492 = vector.load %arg3[%get3A_490, %get3A_491] : memref<512x1024xf32, #tpu.memory_space<vmem>>, vector<8x1024xf32>
      %max3A_493 = arith.maximumf %max3A_477, %get3A_492 : vector<8x1024xf32>
      %get3A_494 = arith.constant 384 : index
      %get3A_495 = arith.constant 0 : index
      %get3A_496 = vector.load %arg3[%get3A_494, %get3A_495] : memref<512x1024xf32, #tpu.memory_space<vmem>>, vector<8x1024xf32>
      %max3A_497 = arith.maximumf %max3A_481, %get3A_496 : vector<8x1024xf32>
      %get3A_498 = arith.constant 392 : index
      %get3A_499 = arith.constant 0 : index
      %get3A_500 = vector.load %arg3[%get3A_498, %get3A_499] : memref<512x1024xf32, #tpu.memory_space<vmem>>, vector<8x1024xf32>
      %max3A_501 = arith.maximumf %max3A_485, %get3A_500 : vector<8x1024xf32>
      %get3A_502 = arith.constant 400 : index
      %get3A_503 = arith.constant 0 : index
      %get3A_504 = vector.load %arg3[%get3A_502, %get3A_503] : memref<512x1024xf32, #tpu.memory_space<vmem>>, vector<8x1024xf32>
      %max3A_505 = arith.maximumf %max3A_489, %get3A_504 : vector<8x1024xf32>
      %get3A_506 = arith.constant 408 : index
      %get3A_507 = arith.constant 0 : index
      %get3A_508 = vector.load %arg3[%get3A_506, %get3A_507] : memref<512x1024xf32, #tpu.memory_space<vmem>>, vector<8x1024xf32>
      %max3A_509 = arith.maximumf %max3A_493, %get3A_508 : vector<8x1024xf32>
      %get3A_510 = arith.constant 416 : index
      %get3A_511 = arith.constant 0 : index
      %get3A_512 = vector.load %arg3[%get3A_510, %get3A_511] : memref<512x1024xf32, #tpu.memory_space<vmem>>, vector<8x1024xf32>
      %max3A_513 = arith.maximumf %max3A_497, %get3A_512 : vector<8x1024xf32>
      %get3A_514 = arith.constant 424 : index
      %get3A_515 = arith.constant 0 : index
      %get3A_516 = vector.load %arg3[%get3A_514, %get3A_515] : memref<512x1024xf32, #tpu.memory_space<vmem>>, vector<8x1024xf32>
      %max3A_517 = arith.maximumf %max3A_501, %get3A_516 : vector<8x1024xf32>
      %get3A_518 = arith.constant 432 : index
      %get3A_519 = arith.constant 0 : index
      %get3A_520 = vector.load %arg3[%get3A_518, %get3A_519] : memref<512x1024xf32, #tpu.memory_space<vmem>>, vector<8x1024xf32>
      %max3A_521 = arith.maximumf %max3A_505, %get3A_520 : vector<8x1024xf32>
      %get3A_522 = arith.constant 440 : index
      %get3A_523 = arith.constant 0 : index
      %get3A_524 = vector.load %arg3[%get3A_522, %get3A_523] : memref<512x1024xf32, #tpu.memory_space<vmem>>, vector<8x1024xf32>
      %max3A_525 = arith.maximumf %max3A_509, %get3A_524 : vector<8x1024xf32>
      %get3A_526 = arith.constant 448 : index
      %get3A_527 = arith.constant 0 : index
      %get3A_528 = vector.load %arg3[%get3A_526, %get3A_527] : memref<512x1024xf32, #tpu.memory_space<vmem>>, vector<8x1024xf32>
      %max3A_529 = arith.maximumf %max3A_513, %get3A_528 : vector<8x1024xf32>
      %get3A_530 = arith.constant 456 : index
      %get3A_531 = arith.constant 0 : index
      %get3A_532 = vector.load %arg3[%get3A_530, %get3A_531] : memref<512x1024xf32, #tpu.memory_space<vmem>>, vector<8x1024xf32>
      %max3A_533 = arith.maximumf %max3A_517, %get3A_532 : vector<8x1024xf32>
      %get3A_534 = arith.constant 464 : index
      %get3A_535 = arith.constant 0 : index
      %get3A_536 = vector.load %arg3[%get3A_534, %get3A_535] : memref<512x1024xf32, #tpu.memory_space<vmem>>, vector<8x1024xf32>
      %max3A_537 = arith.maximumf %max3A_521, %get3A_536 : vector<8x1024xf32>
      %get3A_538 = arith.constant 472 : index
      %get3A_539 = arith.constant 0 : index
      %get3A_540 = vector.load %arg3[%get3A_538, %get3A_539] : memref<512x1024xf32, #tpu.memory_space<vmem>>, vector<8x1024xf32>
      %max3A_541 = arith.maximumf %max3A_525, %get3A_540 : vector<8x1024xf32>
      %get3A_542 = arith.constant 480 : index
      %get3A_543 = arith.constant 0 : index
      %get3A_544 = vector.load %arg3[%get3A_542, %get3A_543] : memref<512x1024xf32, #tpu.memory_space<vmem>>, vector<8x1024xf32>
      %max3A_545 = arith.maximumf %max3A_529, %get3A_544 : vector<8x1024xf32>
      %get3A_546 = arith.constant 488 : index
      %get3A_547 = arith.constant 0 : index
      %get3A_548 = vector.load %arg3[%get3A_546, %get3A_547] : memref<512x1024xf32, #tpu.memory_space<vmem>>, vector<8x1024xf32>
      %max3A_549 = arith.maximumf %max3A_533, %get3A_548 : vector<8x1024xf32>
      %get3A_550 = arith.constant 496 : index
      %get3A_551 = arith.constant 0 : index
      %get3A_552 = vector.load %arg3[%get3A_550, %get3A_551] : memref<512x1024xf32, #tpu.memory_space<vmem>>, vector<8x1024xf32>
      %max3A_553 = arith.maximumf %max3A_537, %get3A_552 : vector<8x1024xf32>
      %get3A_554 = arith.constant 504 : index
      %get3A_555 = arith.constant 0 : index
      %get3A_556 = vector.load %arg3[%get3A_554, %get3A_555] : memref<512x1024xf32, #tpu.memory_space<vmem>>, vector<8x1024xf32>
      %max3A_557 = arith.maximumf %max3A_541, %get3A_556 : vector<8x1024xf32>
      %add3A_558 = arith.constant 4 : i32
      %add3A_559 = arith.addi %add3A_295, %add3A_558 : i32
      %lt3A_560 = arith.constant 52 : i32
      %lt3A_561 = arith.cmpi slt, %add3A_559, %lt3A_560 : i32
      %convert_element_type3A_562 = arith.extui %lt3A_561 : i1 to i32
      %cond3A_563 = arith.constant 0 : i32
      %cond3A_564 = arith.cmpi ne, %convert_element_type3A_562, %cond3A_563 : i32
      scf.if %cond3A_564 {
        %add3A_1111 = arith.constant 4 : i32
        %add3A_1112 = arith.addi %add3A_295, %add3A_1111 : i32
        %mul3A_1113 = arith.constant 512 : i32
        %mul3A_1114 = arith.muli %add3A_1112, %mul3A_1113 : i32
        %add3A_1115 = arith.constant 6144 : i32
        %add3A_1116 = arith.addi %add3A_1115, %mul3A_1114 : i32
        %dma_start3A_1117 = arith.constant 0 : i32
        %dma_start3A_1118 = tpu.memref_slice %arg0[%add3A_1116, %dma_start3A_1117] : memref<32768x1024xf32, #tpu.memory_space<any>> -> memref<512x1024xf32, #tpu.memory_space<any>>
        tpu.enqueue_dma source(%dma_start3A_1118 : memref<512x1024xf32, #tpu.memory_space<any>>) target(%arg3 : memref<512x1024xf32, #tpu.memory_space<vmem>>) target_semaphore(%arg7 : memref<!tpu.dma_semaphore, #tpu.memory_space<semaphore_mem>>)
      } else {
      }
      %mul3A_565 = arith.constant 4 : i32
      %mul3A_566 = arith.muli %scan3A_21, %mul3A_565 : i32
      %add3A_567 = arith.constant 2 : i32
      %add3A_568 = arith.addi %mul3A_566, %add3A_567 : i32
      %mul3A_569 = arith.constant 512 : i32
      %mul3A_570 = arith.muli %add3A_568, %mul3A_569 : i32
      %add3A_571 = arith.constant 6144 : i32
      %add3A_572 = arith.addi %add3A_571, %mul3A_570 : i32
      %dma_wait3A_573 = arith.constant 0 : i32
      %dma_wait3A_574 = tpu.memref_slice %arg0[%add3A_572, %dma_wait3A_573] : memref<32768x1024xf32, #tpu.memory_space<any>> -> memref<512x1024xf32, #tpu.memory_space<any>>
      tpu.wait_dma2 semaphore(%arg8 : memref<!tpu.dma_semaphore, #tpu.memory_space<semaphore_mem>>) src(%dma_wait3A_574 : memref<512x1024xf32, #tpu.memory_space<any>>) dst(%arg4 : memref<512x1024xf32, #tpu.memory_space<vmem>>)
      %get3A_575 = arith.constant 0 : index
      %get3A_576 = arith.constant 0 : index
      %get3A_577 = vector.load %arg4[%get3A_575, %get3A_576] : memref<512x1024xf32, #tpu.memory_space<vmem>>, vector<8x1024xf32>
      %max3A_578 = arith.maximumf %max3A_545, %get3A_577 : vector<8x1024xf32>
      %get3A_579 = arith.constant 8 : index
      %get3A_580 = arith.constant 0 : index
      %get3A_581 = vector.load %arg4[%get3A_579, %get3A_580] : memref<512x1024xf32, #tpu.memory_space<vmem>>, vector<8x1024xf32>
      %max3A_582 = arith.maximumf %max3A_549, %get3A_581 : vector<8x1024xf32>
      %get3A_583 = arith.constant 16 : index
      %get3A_584 = arith.constant 0 : index
      %get3A_585 = vector.load %arg4[%get3A_583, %get3A_584] : memref<512x1024xf32, #tpu.memory_space<vmem>>, vector<8x1024xf32>
      %max3A_586 = arith.maximumf %max3A_553, %get3A_585 : vector<8x1024xf32>
      %get3A_587 = arith.constant 24 : index
      %get3A_588 = arith.constant 0 : index
      %get3A_589 = vector.load %arg4[%get3A_587, %get3A_588] : memref<512x1024xf32, #tpu.memory_space<vmem>>, vector<8x1024xf32>
      %max3A_590 = arith.maximumf %max3A_557, %get3A_589 : vector<8x1024xf32>
      %get3A_591 = arith.constant 32 : index
      %get3A_592 = arith.constant 0 : index
      %get3A_593 = vector.load %arg4[%get3A_591, %get3A_592] : memref<512x1024xf32, #tpu.memory_space<vmem>>, vector<8x1024xf32>
      %max3A_594 = arith.maximumf %max3A_578, %get3A_593 : vector<8x1024xf32>
      %get3A_595 = arith.constant 40 : index
      %get3A_596 = arith.constant 0 : index
      %get3A_597 = vector.load %arg4[%get3A_595, %get3A_596] : memref<512x1024xf32, #tpu.memory_space<vmem>>, vector<8x1024xf32>
      %max3A_598 = arith.maximumf %max3A_582, %get3A_597 : vector<8x1024xf32>
      %get3A_599 = arith.constant 48 : index
      %get3A_600 = arith.constant 0 : index
      %get3A_601 = vector.load %arg4[%get3A_599, %get3A_600] : memref<512x1024xf32, #tpu.memory_space<vmem>>, vector<8x1024xf32>
      %max3A_602 = arith.maximumf %max3A_586, %get3A_601 : vector<8x1024xf32>
      %get3A_603 = arith.constant 56 : index
      %get3A_604 = arith.constant 0 : index
      %get3A_605 = vector.load %arg4[%get3A_603, %get3A_604] : memref<512x1024xf32, #tpu.memory_space<vmem>>, vector<8x1024xf32>
      %max3A_606 = arith.maximumf %max3A_590, %get3A_605 : vector<8x1024xf32>
      %get3A_607 = arith.constant 64 : index
      %get3A_608 = arith.constant 0 : index
      %get3A_609 = vector.load %arg4[%get3A_607, %get3A_608] : memref<512x1024xf32, #tpu.memory_space<vmem>>, vector<8x1024xf32>
      %max3A_610 = arith.maximumf %max3A_594, %get3A_609 : vector<8x1024xf32>
      %get3A_611 = arith.constant 72 : index
      %get3A_612 = arith.constant 0 : index
      %get3A_613 = vector.load %arg4[%get3A_611, %get3A_612] : memref<512x1024xf32, #tpu.memory_space<vmem>>, vector<8x1024xf32>
      %max3A_614 = arith.maximumf %max3A_598, %get3A_613 : vector<8x1024xf32>
      %get3A_615 = arith.constant 80 : index
      %get3A_616 = arith.constant 0 : index
      %get3A_617 = vector.load %arg4[%get3A_615, %get3A_616] : memref<512x1024xf32, #tpu.memory_space<vmem>>, vector<8x1024xf32>
      %max3A_618 = arith.maximumf %max3A_602, %get3A_617 : vector<8x1024xf32>
      %get3A_619 = arith.constant 88 : index
      %get3A_620 = arith.constant 0 : index
      %get3A_621 = vector.load %arg4[%get3A_619, %get3A_620] : memref<512x1024xf32, #tpu.memory_space<vmem>>, vector<8x1024xf32>
      %max3A_622 = arith.maximumf %max3A_606, %get3A_621 : vector<8x1024xf32>
      %get3A_623 = arith.constant 96 : index
      %get3A_624 = arith.constant 0 : index
      %get3A_625 = vector.load %arg4[%get3A_623, %get3A_624] : memref<512x1024xf32, #tpu.memory_space<vmem>>, vector<8x1024xf32>
      %max3A_626 = arith.maximumf %max3A_610, %get3A_625 : vector<8x1024xf32>
      %get3A_627 = arith.constant 104 : index
      %get3A_628 = arith.constant 0 : index
      %get3A_629 = vector.load %arg4[%get3A_627, %get3A_628] : memref<512x1024xf32, #tpu.memory_space<vmem>>, vector<8x1024xf32>
      %max3A_630 = arith.maximumf %max3A_614, %get3A_629 : vector<8x1024xf32>
      %get3A_631 = arith.constant 112 : index
      %get3A_632 = arith.constant 0 : index
      %get3A_633 = vector.load %arg4[%get3A_631, %get3A_632] : memref<512x1024xf32, #tpu.memory_space<vmem>>, vector<8x1024xf32>
      %max3A_634 = arith.maximumf %max3A_618, %get3A_633 : vector<8x1024xf32>
      %get3A_635 = arith.constant 120 : index
      %get3A_636 = arith.constant 0 : index
      %get3A_637 = vector.load %arg4[%get3A_635, %get3A_636] : memref<512x1024xf32, #tpu.memory_space<vmem>>, vector<8x1024xf32>
      %max3A_638 = arith.maximumf %max3A_622, %get3A_637 : vector<8x1024xf32>
      %get3A_639 = arith.constant 128 : index
      %get3A_640 = arith.constant 0 : index
      %get3A_641 = vector.load %arg4[%get3A_639, %get3A_640] : memref<512x1024xf32, #tpu.memory_space<vmem>>, vector<8x1024xf32>
      %max3A_642 = arith.maximumf %max3A_626, %get3A_641 : vector<8x1024xf32>
      %get3A_643 = arith.constant 136 : index
      %get3A_644 = arith.constant 0 : index
      %get3A_645 = vector.load %arg4[%get3A_643, %get3A_644] : memref<512x1024xf32, #tpu.memory_space<vmem>>, vector<8x1024xf32>
      %max3A_646 = arith.maximumf %max3A_630, %get3A_645 : vector<8x1024xf32>
      %get3A_647 = arith.constant 144 : index
      %get3A_648 = arith.constant 0 : index
      %get3A_649 = vector.load %arg4[%get3A_647, %get3A_648] : memref<512x1024xf32, #tpu.memory_space<vmem>>, vector<8x1024xf32>
      %max3A_650 = arith.maximumf %max3A_634, %get3A_649 : vector<8x1024xf32>
      %get3A_651 = arith.constant 152 : index
      %get3A_652 = arith.constant 0 : index
      %get3A_653 = vector.load %arg4[%get3A_651, %get3A_652] : memref<512x1024xf32, #tpu.memory_space<vmem>>, vector<8x1024xf32>
      %max3A_654 = arith.maximumf %max3A_638, %get3A_653 : vector<8x1024xf32>
      %get3A_655 = arith.constant 160 : index
      %get3A_656 = arith.constant 0 : index
      %get3A_657 = vector.load %arg4[%get3A_655, %get3A_656] : memref<512x1024xf32, #tpu.memory_space<vmem>>, vector<8x1024xf32>
      %max3A_658 = arith.maximumf %max3A_642, %get3A_657 : vector<8x1024xf32>
      %get3A_659 = arith.constant 168 : index
      %get3A_660 = arith.constant 0 : index
      %get3A_661 = vector.load %arg4[%get3A_659, %get3A_660] : memref<512x1024xf32, #tpu.memory_space<vmem>>, vector<8x1024xf32>
      %max3A_662 = arith.maximumf %max3A_646, %get3A_661 : vector<8x1024xf32>
      %get3A_663 = arith.constant 176 : index
      %get3A_664 = arith.constant 0 : index
      %get3A_665 = vector.load %arg4[%get3A_663, %get3A_664] : memref<512x1024xf32, #tpu.memory_space<vmem>>, vector<8x1024xf32>
      %max3A_666 = arith.maximumf %max3A_650, %get3A_665 : vector<8x1024xf32>
      %get3A_667 = arith.constant 184 : index
      %get3A_668 = arith.constant 0 : index
      %get3A_669 = vector.load %arg4[%get3A_667, %get3A_668] : memref<512x1024xf32, #tpu.memory_space<vmem>>, vector<8x1024xf32>
      %max3A_670 = arith.maximumf %max3A_654, %get3A_669 : vector<8x1024xf32>
      %get3A_671 = arith.constant 192 : index
      %get3A_672 = arith.constant 0 : index
      %get3A_673 = vector.load %arg4[%get3A_671, %get3A_672] : memref<512x1024xf32, #tpu.memory_space<vmem>>, vector<8x1024xf32>
      %max3A_674 = arith.maximumf %max3A_658, %get3A_673 : vector<8x1024xf32>
      %get3A_675 = arith.constant 200 : index
      %get3A_676 = arith.constant 0 : index
      %get3A_677 = vector.load %arg4[%get3A_675, %get3A_676] : memref<512x1024xf32, #tpu.memory_space<vmem>>, vector<8x1024xf32>
      %max3A_678 = arith.maximumf %max3A_662, %get3A_677 : vector<8x1024xf32>
      %get3A_679 = arith.constant 208 : index
      %get3A_680 = arith.constant 0 : index
      %get3A_681 = vector.load %arg4[%get3A_679, %get3A_680] : memref<512x1024xf32, #tpu.memory_space<vmem>>, vector<8x1024xf32>
      %max3A_682 = arith.maximumf %max3A_666, %get3A_681 : vector<8x1024xf32>
      %get3A_683 = arith.constant 216 : index
      %get3A_684 = arith.constant 0 : index
      %get3A_685 = vector.load %arg4[%get3A_683, %get3A_684] : memref<512x1024xf32, #tpu.memory_space<vmem>>, vector<8x1024xf32>
      %max3A_686 = arith.maximumf %max3A_670, %get3A_685 : vector<8x1024xf32>
      %get3A_687 = arith.constant 224 : index
      %get3A_688 = arith.constant 0 : index
      %get3A_689 = vector.load %arg4[%get3A_687, %get3A_688] : memref<512x1024xf32, #tpu.memory_space<vmem>>, vector<8x1024xf32>
      %max3A_690 = arith.maximumf %max3A_674, %get3A_689 : vector<8x1024xf32>
      %get3A_691 = arith.constant 232 : index
      %get3A_692 = arith.constant 0 : index
      %get3A_693 = vector.load %arg4[%get3A_691, %get3A_692] : memref<512x1024xf32, #tpu.memory_space<vmem>>, vector<8x1024xf32>
      %max3A_694 = arith.maximumf %max3A_678, %get3A_693 : vector<8x1024xf32>
      %get3A_695 = arith.constant 240 : index
      %get3A_696 = arith.constant 0 : index
      %get3A_697 = vector.load %arg4[%get3A_695, %get3A_696] : memref<512x1024xf32, #tpu.memory_space<vmem>>, vector<8x1024xf32>
      %max3A_698 = arith.maximumf %max3A_682, %get3A_697 : vector<8x1024xf32>
      %get3A_699 = arith.constant 248 : index
      %get3A_700 = arith.constant 0 : index
      %get3A_701 = vector.load %arg4[%get3A_699, %get3A_700] : memref<512x1024xf32, #tpu.memory_space<vmem>>, vector<8x1024xf32>
      %max3A_702 = arith.maximumf %max3A_686, %get3A_701 : vector<8x1024xf32>
      %get3A_703 = arith.constant 256 : index
      %get3A_704 = arith.constant 0 : index
      %get3A_705 = vector.load %arg4[%get3A_703, %get3A_704] : memref<512x1024xf32, #tpu.memory_space<vmem>>, vector<8x1024xf32>
      %max3A_706 = arith.maximumf %max3A_690, %get3A_705 : vector<8x1024xf32>
      %get3A_707 = arith.constant 264 : index
      %get3A_708 = arith.constant 0 : index
      %get3A_709 = vector.load %arg4[%get3A_707, %get3A_708] : memref<512x1024xf32, #tpu.memory_space<vmem>>, vector<8x1024xf32>
      %max3A_710 = arith.maximumf %max3A_694, %get3A_709 : vector<8x1024xf32>
      %get3A_711 = arith.constant 272 : index
      %get3A_712 = arith.constant 0 : index
      %get3A_713 = vector.load %arg4[%get3A_711, %get3A_712] : memref<512x1024xf32, #tpu.memory_space<vmem>>, vector<8x1024xf32>
      %max3A_714 = arith.maximumf %max3A_698, %get3A_713 : vector<8x1024xf32>
      %get3A_715 = arith.constant 280 : index
      %get3A_716 = arith.constant 0 : index
      %get3A_717 = vector.load %arg4[%get3A_715, %get3A_716] : memref<512x1024xf32, #tpu.memory_space<vmem>>, vector<8x1024xf32>
      %max3A_718 = arith.maximumf %max3A_702, %get3A_717 : vector<8x1024xf32>
      %get3A_719 = arith.constant 288 : index
      %get3A_720 = arith.constant 0 : index
      %get3A_721 = vector.load %arg4[%get3A_719, %get3A_720] : memref<512x1024xf32, #tpu.memory_space<vmem>>, vector<8x1024xf32>
      %max3A_722 = arith.maximumf %max3A_706, %get3A_721 : vector<8x1024xf32>
      %get3A_723 = arith.constant 296 : index
      %get3A_724 = arith.constant 0 : index
      %get3A_725 = vector.load %arg4[%get3A_723, %get3A_724] : memref<512x1024xf32, #tpu.memory_space<vmem>>, vector<8x1024xf32>
      %max3A_726 = arith.maximumf %max3A_710, %get3A_725 : vector<8x1024xf32>
      %get3A_727 = arith.constant 304 : index
      %get3A_728 = arith.constant 0 : index
      %get3A_729 = vector.load %arg4[%get3A_727, %get3A_728] : memref<512x1024xf32, #tpu.memory_space<vmem>>, vector<8x1024xf32>
      %max3A_730 = arith.maximumf %max3A_714, %get3A_729 : vector<8x1024xf32>
      %get3A_731 = arith.constant 312 : index
      %get3A_732 = arith.constant 0 : index
      %get3A_733 = vector.load %arg4[%get3A_731, %get3A_732] : memref<512x1024xf32, #tpu.memory_space<vmem>>, vector<8x1024xf32>
      %max3A_734 = arith.maximumf %max3A_718, %get3A_733 : vector<8x1024xf32>
      %get3A_735 = arith.constant 320 : index
      %get3A_736 = arith.constant 0 : index
      %get3A_737 = vector.load %arg4[%get3A_735, %get3A_736] : memref<512x1024xf32, #tpu.memory_space<vmem>>, vector<8x1024xf32>
      %max3A_738 = arith.maximumf %max3A_722, %get3A_737 : vector<8x1024xf32>
      %get3A_739 = arith.constant 328 : index
      %get3A_740 = arith.constant 0 : index
      %get3A_741 = vector.load %arg4[%get3A_739, %get3A_740] : memref<512x1024xf32, #tpu.memory_space<vmem>>, vector<8x1024xf32>
      %max3A_742 = arith.maximumf %max3A_726, %get3A_741 : vector<8x1024xf32>
      %get3A_743 = arith.constant 336 : index
      %get3A_744 = arith.constant 0 : index
      %get3A_745 = vector.load %arg4[%get3A_743, %get3A_744] : memref<512x1024xf32, #tpu.memory_space<vmem>>, vector<8x1024xf32>
      %max3A_746 = arith.maximumf %max3A_730, %get3A_745 : vector<8x1024xf32>
      %get3A_747 = arith.constant 344 : index
      %get3A_748 = arith.constant 0 : index
      %get3A_749 = vector.load %arg4[%get3A_747, %get3A_748] : memref<512x1024xf32, #tpu.memory_space<vmem>>, vector<8x1024xf32>
      %max3A_750 = arith.maximumf %max3A_734, %get3A_749 : vector<8x1024xf32>
      %get3A_751 = arith.constant 352 : index
      %get3A_752 = arith.constant 0 : index
      %get3A_753 = vector.load %arg4[%get3A_751, %get3A_752] : memref<512x1024xf32, #tpu.memory_space<vmem>>, vector<8x1024xf32>
      %max3A_754 = arith.maximumf %max3A_738, %get3A_753 : vector<8x1024xf32>
      %get3A_755 = arith.constant 360 : index
      %get3A_756 = arith.constant 0 : index
      %get3A_757 = vector.load %arg4[%get3A_755, %get3A_756] : memref<512x1024xf32, #tpu.memory_space<vmem>>, vector<8x1024xf32>
      %max3A_758 = arith.maximumf %max3A_742, %get3A_757 : vector<8x1024xf32>
      %get3A_759 = arith.constant 368 : index
      %get3A_760 = arith.constant 0 : index
      %get3A_761 = vector.load %arg4[%get3A_759, %get3A_760] : memref<512x1024xf32, #tpu.memory_space<vmem>>, vector<8x1024xf32>
      %max3A_762 = arith.maximumf %max3A_746, %get3A_761 : vector<8x1024xf32>
      %get3A_763 = arith.constant 376 : index
      %get3A_764 = arith.constant 0 : index
      %get3A_765 = vector.load %arg4[%get3A_763, %get3A_764] : memref<512x1024xf32, #tpu.memory_space<vmem>>, vector<8x1024xf32>
      %max3A_766 = arith.maximumf %max3A_750, %get3A_765 : vector<8x1024xf32>
      %get3A_767 = arith.constant 384 : index
      %get3A_768 = arith.constant 0 : index
      %get3A_769 = vector.load %arg4[%get3A_767, %get3A_768] : memref<512x1024xf32, #tpu.memory_space<vmem>>, vector<8x1024xf32>
      %max3A_770 = arith.maximumf %max3A_754, %get3A_769 : vector<8x1024xf32>
      %get3A_771 = arith.constant 392 : index
      %get3A_772 = arith.constant 0 : index
      %get3A_773 = vector.load %arg4[%get3A_771, %get3A_772] : memref<512x1024xf32, #tpu.memory_space<vmem>>, vector<8x1024xf32>
      %max3A_774 = arith.maximumf %max3A_758, %get3A_773 : vector<8x1024xf32>
      %get3A_775 = arith.constant 400 : index
      %get3A_776 = arith.constant 0 : index
      %get3A_777 = vector.load %arg4[%get3A_775, %get3A_776] : memref<512x1024xf32, #tpu.memory_space<vmem>>, vector<8x1024xf32>
      %max3A_778 = arith.maximumf %max3A_762, %get3A_777 : vector<8x1024xf32>
      %get3A_779 = arith.constant 408 : index
      %get3A_780 = arith.constant 0 : index
      %get3A_781 = vector.load %arg4[%get3A_779, %get3A_780] : memref<512x1024xf32, #tpu.memory_space<vmem>>, vector<8x1024xf32>
      %max3A_782 = arith.maximumf %max3A_766, %get3A_781 : vector<8x1024xf32>
      %get3A_783 = arith.constant 416 : index
      %get3A_784 = arith.constant 0 : index
      %get3A_785 = vector.load %arg4[%get3A_783, %get3A_784] : memref<512x1024xf32, #tpu.memory_space<vmem>>, vector<8x1024xf32>
      %max3A_786 = arith.maximumf %max3A_770, %get3A_785 : vector<8x1024xf32>
      %get3A_787 = arith.constant 424 : index
      %get3A_788 = arith.constant 0 : index
      %get3A_789 = vector.load %arg4[%get3A_787, %get3A_788] : memref<512x1024xf32, #tpu.memory_space<vmem>>, vector<8x1024xf32>
      %max3A_790 = arith.maximumf %max3A_774, %get3A_789 : vector<8x1024xf32>
      %get3A_791 = arith.constant 432 : index
      %get3A_792 = arith.constant 0 : index
      %get3A_793 = vector.load %arg4[%get3A_791, %get3A_792] : memref<512x1024xf32, #tpu.memory_space<vmem>>, vector<8x1024xf32>
      %max3A_794 = arith.maximumf %max3A_778, %get3A_793 : vector<8x1024xf32>
      %get3A_795 = arith.constant 440 : index
      %get3A_796 = arith.constant 0 : index
      %get3A_797 = vector.load %arg4[%get3A_795, %get3A_796] : memref<512x1024xf32, #tpu.memory_space<vmem>>, vector<8x1024xf32>
      %max3A_798 = arith.maximumf %max3A_782, %get3A_797 : vector<8x1024xf32>
      %get3A_799 = arith.constant 448 : index
      %get3A_800 = arith.constant 0 : index
      %get3A_801 = vector.load %arg4[%get3A_799, %get3A_800] : memref<512x1024xf32, #tpu.memory_space<vmem>>, vector<8x1024xf32>
      %max3A_802 = arith.maximumf %max3A_786, %get3A_801 : vector<8x1024xf32>
      %get3A_803 = arith.constant 456 : index
      %get3A_804 = arith.constant 0 : index
      %get3A_805 = vector.load %arg4[%get3A_803, %get3A_804] : memref<512x1024xf32, #tpu.memory_space<vmem>>, vector<8x1024xf32>
      %max3A_806 = arith.maximumf %max3A_790, %get3A_805 : vector<8x1024xf32>
      %get3A_807 = arith.constant 464 : index
      %get3A_808 = arith.constant 0 : index
      %get3A_809 = vector.load %arg4[%get3A_807, %get3A_808] : memref<512x1024xf32, #tpu.memory_space<vmem>>, vector<8x1024xf32>
      %max3A_810 = arith.maximumf %max3A_794, %get3A_809 : vector<8x1024xf32>
      %get3A_811 = arith.constant 472 : index
      %get3A_812 = arith.constant 0 : index
      %get3A_813 = vector.load %arg4[%get3A_811, %get3A_812] : memref<512x1024xf32, #tpu.memory_space<vmem>>, vector<8x1024xf32>
      %max3A_814 = arith.maximumf %max3A_798, %get3A_813 : vector<8x1024xf32>
      %get3A_815 = arith.constant 480 : index
      %get3A_816 = arith.constant 0 : index
      %get3A_817 = vector.load %arg4[%get3A_815, %get3A_816] : memref<512x1024xf32, #tpu.memory_space<vmem>>, vector<8x1024xf32>
      %max3A_818 = arith.maximumf %max3A_802, %get3A_817 : vector<8x1024xf32>
      %get3A_819 = arith.constant 488 : index
      %get3A_820 = arith.constant 0 : index
      %get3A_821 = vector.load %arg4[%get3A_819, %get3A_820] : memref<512x1024xf32, #tpu.memory_space<vmem>>, vector<8x1024xf32>
      %max3A_822 = arith.maximumf %max3A_806, %get3A_821 : vector<8x1024xf32>
      %get3A_823 = arith.constant 496 : index
      %get3A_824 = arith.constant 0 : index
      %get3A_825 = vector.load %arg4[%get3A_823, %get3A_824] : memref<512x1024xf32, #tpu.memory_space<vmem>>, vector<8x1024xf32>
      %max3A_826 = arith.maximumf %max3A_810, %get3A_825 : vector<8x1024xf32>
      %get3A_827 = arith.constant 504 : index
      %get3A_828 = arith.constant 0 : index
      %get3A_829 = vector.load %arg4[%get3A_827, %get3A_828] : memref<512x1024xf32, #tpu.memory_space<vmem>>, vector<8x1024xf32>
      %max3A_830 = arith.maximumf %max3A_814, %get3A_829 : vector<8x1024xf32>
      %add3A_831 = arith.constant 4 : i32
      %add3A_832 = arith.addi %add3A_568, %add3A_831 : i32
      %lt3A_833 = arith.constant 52 : i32
      %lt3A_834 = arith.cmpi slt, %add3A_832, %lt3A_833 : i32
      %convert_element_type3A_835 = arith.extui %lt3A_834 : i1 to i32
      %cond3A_836 = arith.constant 0 : i32
      %cond3A_837 = arith.cmpi ne, %convert_element_type3A_835, %cond3A_836 : i32
      scf.if %cond3A_837 {
        %add3A_1111 = arith.constant 4 : i32
        %add3A_1112 = arith.addi %add3A_568, %add3A_1111 : i32
        %mul3A_1113 = arith.constant 512 : i32
        %mul3A_1114 = arith.muli %add3A_1112, %mul3A_1113 : i32
        %add3A_1115 = arith.constant 6144 : i32
        %add3A_1116 = arith.addi %add3A_1115, %mul3A_1114 : i32
        %dma_start3A_1117 = arith.constant 0 : i32
        %dma_start3A_1118 = tpu.memref_slice %arg0[%add3A_1116, %dma_start3A_1117] : memref<32768x1024xf32, #tpu.memory_space<any>> -> memref<512x1024xf32, #tpu.memory_space<any>>
        tpu.enqueue_dma source(%dma_start3A_1118 : memref<512x1024xf32, #tpu.memory_space<any>>) target(%arg4 : memref<512x1024xf32, #tpu.memory_space<vmem>>) target_semaphore(%arg8 : memref<!tpu.dma_semaphore, #tpu.memory_space<semaphore_mem>>)
      } else {
      }
      %mul3A_838 = arith.constant 4 : i32
      %mul3A_839 = arith.muli %scan3A_21, %mul3A_838 : i32
      %add3A_840 = arith.constant 3 : i32
      %add3A_841 = arith.addi %mul3A_839, %add3A_840 : i32
      %mul3A_842 = arith.constant 512 : i32
      %mul3A_843 = arith.muli %add3A_841, %mul3A_842 : i32
      %add3A_844 = arith.constant 6144 : i32
      %add3A_845 = arith.addi %add3A_844, %mul3A_843 : i32
      %dma_wait3A_846 = arith.constant 0 : i32
      %dma_wait3A_847 = tpu.memref_slice %arg0[%add3A_845, %dma_wait3A_846] : memref<32768x1024xf32, #tpu.memory_space<any>> -> memref<512x1024xf32, #tpu.memory_space<any>>
      tpu.wait_dma2 semaphore(%arg9 : memref<!tpu.dma_semaphore, #tpu.memory_space<semaphore_mem>>) src(%dma_wait3A_847 : memref<512x1024xf32, #tpu.memory_space<any>>) dst(%arg5 : memref<512x1024xf32, #tpu.memory_space<vmem>>)
      %get3A_848 = arith.constant 0 : index
      %get3A_849 = arith.constant 0 : index
      %get3A_850 = vector.load %arg5[%get3A_848, %get3A_849] : memref<512x1024xf32, #tpu.memory_space<vmem>>, vector<8x1024xf32>
      %max3A_851 = arith.maximumf %max3A_818, %get3A_850 : vector<8x1024xf32>
      %get3A_852 = arith.constant 8 : index
      %get3A_853 = arith.constant 0 : index
      %get3A_854 = vector.load %arg5[%get3A_852, %get3A_853] : memref<512x1024xf32, #tpu.memory_space<vmem>>, vector<8x1024xf32>
      %max3A_855 = arith.maximumf %max3A_822, %get3A_854 : vector<8x1024xf32>
      %get3A_856 = arith.constant 16 : index
      %get3A_857 = arith.constant 0 : index
      %get3A_858 = vector.load %arg5[%get3A_856, %get3A_857] : memref<512x1024xf32, #tpu.memory_space<vmem>>, vector<8x1024xf32>
      %max3A_859 = arith.maximumf %max3A_826, %get3A_858 : vector<8x1024xf32>
      %get3A_860 = arith.constant 24 : index
      %get3A_861 = arith.constant 0 : index
      %get3A_862 = vector.load %arg5[%get3A_860, %get3A_861] : memref<512x1024xf32, #tpu.memory_space<vmem>>, vector<8x1024xf32>
      %max3A_863 = arith.maximumf %max3A_830, %get3A_862 : vector<8x1024xf32>
      %get3A_864 = arith.constant 32 : index
      %get3A_865 = arith.constant 0 : index
      %get3A_866 = vector.load %arg5[%get3A_864, %get3A_865] : memref<512x1024xf32, #tpu.memory_space<vmem>>, vector<8x1024xf32>
      %max3A_867 = arith.maximumf %max3A_851, %get3A_866 : vector<8x1024xf32>
      %get3A_868 = arith.constant 40 : index
      %get3A_869 = arith.constant 0 : index
      %get3A_870 = vector.load %arg5[%get3A_868, %get3A_869] : memref<512x1024xf32, #tpu.memory_space<vmem>>, vector<8x1024xf32>
      %max3A_871 = arith.maximumf %max3A_855, %get3A_870 : vector<8x1024xf32>
      %get3A_872 = arith.constant 48 : index
      %get3A_873 = arith.constant 0 : index
      %get3A_874 = vector.load %arg5[%get3A_872, %get3A_873] : memref<512x1024xf32, #tpu.memory_space<vmem>>, vector<8x1024xf32>
      %max3A_875 = arith.maximumf %max3A_859, %get3A_874 : vector<8x1024xf32>
      %get3A_876 = arith.constant 56 : index
      %get3A_877 = arith.constant 0 : index
      %get3A_878 = vector.load %arg5[%get3A_876, %get3A_877] : memref<512x1024xf32, #tpu.memory_space<vmem>>, vector<8x1024xf32>
      %max3A_879 = arith.maximumf %max3A_863, %get3A_878 : vector<8x1024xf32>
      %get3A_880 = arith.constant 64 : index
      %get3A_881 = arith.constant 0 : index
      %get3A_882 = vector.load %arg5[%get3A_880, %get3A_881] : memref<512x1024xf32, #tpu.memory_space<vmem>>, vector<8x1024xf32>
      %max3A_883 = arith.maximumf %max3A_867, %get3A_882 : vector<8x1024xf32>
      %get3A_884 = arith.constant 72 : index
      %get3A_885 = arith.constant 0 : index
      %get3A_886 = vector.load %arg5[%get3A_884, %get3A_885] : memref<512x1024xf32, #tpu.memory_space<vmem>>, vector<8x1024xf32>
      %max3A_887 = arith.maximumf %max3A_871, %get3A_886 : vector<8x1024xf32>
      %get3A_888 = arith.constant 80 : index
      %get3A_889 = arith.constant 0 : index
      %get3A_890 = vector.load %arg5[%get3A_888, %get3A_889] : memref<512x1024xf32, #tpu.memory_space<vmem>>, vector<8x1024xf32>
      %max3A_891 = arith.maximumf %max3A_875, %get3A_890 : vector<8x1024xf32>
      %get3A_892 = arith.constant 88 : index
      %get3A_893 = arith.constant 0 : index
      %get3A_894 = vector.load %arg5[%get3A_892, %get3A_893] : memref<512x1024xf32, #tpu.memory_space<vmem>>, vector<8x1024xf32>
      %max3A_895 = arith.maximumf %max3A_879, %get3A_894 : vector<8x1024xf32>
      %get3A_896 = arith.constant 96 : index
      %get3A_897 = arith.constant 0 : index
      %get3A_898 = vector.load %arg5[%get3A_896, %get3A_897] : memref<512x1024xf32, #tpu.memory_space<vmem>>, vector<8x1024xf32>
      %max3A_899 = arith.maximumf %max3A_883, %get3A_898 : vector<8x1024xf32>
      %get3A_900 = arith.constant 104 : index
      %get3A_901 = arith.constant 0 : index
      %get3A_902 = vector.load %arg5[%get3A_900, %get3A_901] : memref<512x1024xf32, #tpu.memory_space<vmem>>, vector<8x1024xf32>
      %max3A_903 = arith.maximumf %max3A_887, %get3A_902 : vector<8x1024xf32>
      %get3A_904 = arith.constant 112 : index
      %get3A_905 = arith.constant 0 : index
      %get3A_906 = vector.load %arg5[%get3A_904, %get3A_905] : memref<512x1024xf32, #tpu.memory_space<vmem>>, vector<8x1024xf32>
      %max3A_907 = arith.maximumf %max3A_891, %get3A_906 : vector<8x1024xf32>
      %get3A_908 = arith.constant 120 : index
      %get3A_909 = arith.constant 0 : index
      %get3A_910 = vector.load %arg5[%get3A_908, %get3A_909] : memref<512x1024xf32, #tpu.memory_space<vmem>>, vector<8x1024xf32>
      %max3A_911 = arith.maximumf %max3A_895, %get3A_910 : vector<8x1024xf32>
      %get3A_912 = arith.constant 128 : index
      %get3A_913 = arith.constant 0 : index
      %get3A_914 = vector.load %arg5[%get3A_912, %get3A_913] : memref<512x1024xf32, #tpu.memory_space<vmem>>, vector<8x1024xf32>
      %max3A_915 = arith.maximumf %max3A_899, %get3A_914 : vector<8x1024xf32>
      %get3A_916 = arith.constant 136 : index
      %get3A_917 = arith.constant 0 : index
      %get3A_918 = vector.load %arg5[%get3A_916, %get3A_917] : memref<512x1024xf32, #tpu.memory_space<vmem>>, vector<8x1024xf32>
      %max3A_919 = arith.maximumf %max3A_903, %get3A_918 : vector<8x1024xf32>
      %get3A_920 = arith.constant 144 : index
      %get3A_921 = arith.constant 0 : index
      %get3A_922 = vector.load %arg5[%get3A_920, %get3A_921] : memref<512x1024xf32, #tpu.memory_space<vmem>>, vector<8x1024xf32>
      %max3A_923 = arith.maximumf %max3A_907, %get3A_922 : vector<8x1024xf32>
      %get3A_924 = arith.constant 152 : index
      %get3A_925 = arith.constant 0 : index
      %get3A_926 = vector.load %arg5[%get3A_924, %get3A_925] : memref<512x1024xf32, #tpu.memory_space<vmem>>, vector<8x1024xf32>
      %max3A_927 = arith.maximumf %max3A_911, %get3A_926 : vector<8x1024xf32>
      %get3A_928 = arith.constant 160 : index
      %get3A_929 = arith.constant 0 : index
      %get3A_930 = vector.load %arg5[%get3A_928, %get3A_929] : memref<512x1024xf32, #tpu.memory_space<vmem>>, vector<8x1024xf32>
      %max3A_931 = arith.maximumf %max3A_915, %get3A_930 : vector<8x1024xf32>
      %get3A_932 = arith.constant 168 : index
      %get3A_933 = arith.constant 0 : index
      %get3A_934 = vector.load %arg5[%get3A_932, %get3A_933] : memref<512x1024xf32, #tpu.memory_space<vmem>>, vector<8x1024xf32>
      %max3A_935 = arith.maximumf %max3A_919, %get3A_934 : vector<8x1024xf32>
      %get3A_936 = arith.constant 176 : index
      %get3A_937 = arith.constant 0 : index
      %get3A_938 = vector.load %arg5[%get3A_936, %get3A_937] : memref<512x1024xf32, #tpu.memory_space<vmem>>, vector<8x1024xf32>
      %max3A_939 = arith.maximumf %max3A_923, %get3A_938 : vector<8x1024xf32>
      %get3A_940 = arith.constant 184 : index
      %get3A_941 = arith.constant 0 : index
      %get3A_942 = vector.load %arg5[%get3A_940, %get3A_941] : memref<512x1024xf32, #tpu.memory_space<vmem>>, vector<8x1024xf32>
      %max3A_943 = arith.maximumf %max3A_927, %get3A_942 : vector<8x1024xf32>
      %get3A_944 = arith.constant 192 : index
      %get3A_945 = arith.constant 0 : index
      %get3A_946 = vector.load %arg5[%get3A_944, %get3A_945] : memref<512x1024xf32, #tpu.memory_space<vmem>>, vector<8x1024xf32>
      %max3A_947 = arith.maximumf %max3A_931, %get3A_946 : vector<8x1024xf32>
      %get3A_948 = arith.constant 200 : index
      %get3A_949 = arith.constant 0 : index
      %get3A_950 = vector.load %arg5[%get3A_948, %get3A_949] : memref<512x1024xf32, #tpu.memory_space<vmem>>, vector<8x1024xf32>
      %max3A_951 = arith.maximumf %max3A_935, %get3A_950 : vector<8x1024xf32>
      %get3A_952 = arith.constant 208 : index
      %get3A_953 = arith.constant 0 : index
      %get3A_954 = vector.load %arg5[%get3A_952, %get3A_953] : memref<512x1024xf32, #tpu.memory_space<vmem>>, vector<8x1024xf32>
      %max3A_955 = arith.maximumf %max3A_939, %get3A_954 : vector<8x1024xf32>
      %get3A_956 = arith.constant 216 : index
      %get3A_957 = arith.constant 0 : index
      %get3A_958 = vector.load %arg5[%get3A_956, %get3A_957] : memref<512x1024xf32, #tpu.memory_space<vmem>>, vector<8x1024xf32>
      %max3A_959 = arith.maximumf %max3A_943, %get3A_958 : vector<8x1024xf32>
      %get3A_960 = arith.constant 224 : index
      %get3A_961 = arith.constant 0 : index
      %get3A_962 = vector.load %arg5[%get3A_960, %get3A_961] : memref<512x1024xf32, #tpu.memory_space<vmem>>, vector<8x1024xf32>
      %max3A_963 = arith.maximumf %max3A_947, %get3A_962 : vector<8x1024xf32>
      %get3A_964 = arith.constant 232 : index
      %get3A_965 = arith.constant 0 : index
      %get3A_966 = vector.load %arg5[%get3A_964, %get3A_965] : memref<512x1024xf32, #tpu.memory_space<vmem>>, vector<8x1024xf32>
      %max3A_967 = arith.maximumf %max3A_951, %get3A_966 : vector<8x1024xf32>
      %get3A_968 = arith.constant 240 : index
      %get3A_969 = arith.constant 0 : index
      %get3A_970 = vector.load %arg5[%get3A_968, %get3A_969] : memref<512x1024xf32, #tpu.memory_space<vmem>>, vector<8x1024xf32>
      %max3A_971 = arith.maximumf %max3A_955, %get3A_970 : vector<8x1024xf32>
      %get3A_972 = arith.constant 248 : index
      %get3A_973 = arith.constant 0 : index
      %get3A_974 = vector.load %arg5[%get3A_972, %get3A_973] : memref<512x1024xf32, #tpu.memory_space<vmem>>, vector<8x1024xf32>
      %max3A_975 = arith.maximumf %max3A_959, %get3A_974 : vector<8x1024xf32>
      %get3A_976 = arith.constant 256 : index
      %get3A_977 = arith.constant 0 : index
      %get3A_978 = vector.load %arg5[%get3A_976, %get3A_977] : memref<512x1024xf32, #tpu.memory_space<vmem>>, vector<8x1024xf32>
      %max3A_979 = arith.maximumf %max3A_963, %get3A_978 : vector<8x1024xf32>
      %get3A_980 = arith.constant 264 : index
      %get3A_981 = arith.constant 0 : index
      %get3A_982 = vector.load %arg5[%get3A_980, %get3A_981] : memref<512x1024xf32, #tpu.memory_space<vmem>>, vector<8x1024xf32>
      %max3A_983 = arith.maximumf %max3A_967, %get3A_982 : vector<8x1024xf32>
      %get3A_984 = arith.constant 272 : index
      %get3A_985 = arith.constant 0 : index
      %get3A_986 = vector.load %arg5[%get3A_984, %get3A_985] : memref<512x1024xf32, #tpu.memory_space<vmem>>, vector<8x1024xf32>
      %max3A_987 = arith.maximumf %max3A_971, %get3A_986 : vector<8x1024xf32>
      %get3A_988 = arith.constant 280 : index
      %get3A_989 = arith.constant 0 : index
      %get3A_990 = vector.load %arg5[%get3A_988, %get3A_989] : memref<512x1024xf32, #tpu.memory_space<vmem>>, vector<8x1024xf32>
      %max3A_991 = arith.maximumf %max3A_975, %get3A_990 : vector<8x1024xf32>
      %get3A_992 = arith.constant 288 : index
      %get3A_993 = arith.constant 0 : index
      %get3A_994 = vector.load %arg5[%get3A_992, %get3A_993] : memref<512x1024xf32, #tpu.memory_space<vmem>>, vector<8x1024xf32>
      %max3A_995 = arith.maximumf %max3A_979, %get3A_994 : vector<8x1024xf32>
      %get3A_996 = arith.constant 296 : index
      %get3A_997 = arith.constant 0 : index
      %get3A_998 = vector.load %arg5[%get3A_996, %get3A_997] : memref<512x1024xf32, #tpu.memory_space<vmem>>, vector<8x1024xf32>
      %max3A_999 = arith.maximumf %max3A_983, %get3A_998 : vector<8x1024xf32>
      %get3A_1000 = arith.constant 304 : index
      %get3A_1001 = arith.constant 0 : index
      %get3A_1002 = vector.load %arg5[%get3A_1000, %get3A_1001] : memref<512x1024xf32, #tpu.memory_space<vmem>>, vector<8x1024xf32>
      %max3A_1003 = arith.maximumf %max3A_987, %get3A_1002 : vector<8x1024xf32>
      %get3A_1004 = arith.constant 312 : index
      %get3A_1005 = arith.constant 0 : index
      %get3A_1006 = vector.load %arg5[%get3A_1004, %get3A_1005] : memref<512x1024xf32, #tpu.memory_space<vmem>>, vector<8x1024xf32>
      %max3A_1007 = arith.maximumf %max3A_991, %get3A_1006 : vector<8x1024xf32>
      %get3A_1008 = arith.constant 320 : index
      %get3A_1009 = arith.constant 0 : index
      %get3A_1010 = vector.load %arg5[%get3A_1008, %get3A_1009] : memref<512x1024xf32, #tpu.memory_space<vmem>>, vector<8x1024xf32>
      %max3A_1011 = arith.maximumf %max3A_995, %get3A_1010 : vector<8x1024xf32>
      %get3A_1012 = arith.constant 328 : index
      %get3A_1013 = arith.constant 0 : index
      %get3A_1014 = vector.load %arg5[%get3A_1012, %get3A_1013] : memref<512x1024xf32, #tpu.memory_space<vmem>>, vector<8x1024xf32>
      %max3A_1015 = arith.maximumf %max3A_999, %get3A_1014 : vector<8x1024xf32>
      %get3A_1016 = arith.constant 336 : index
      %get3A_1017 = arith.constant 0 : index
      %get3A_1018 = vector.load %arg5[%get3A_1016, %get3A_1017] : memref<512x1024xf32, #tpu.memory_space<vmem>>, vector<8x1024xf32>
      %max3A_1019 = arith.maximumf %max3A_1003, %get3A_1018 : vector<8x1024xf32>
      %get3A_1020 = arith.constant 344 : index
      %get3A_1021 = arith.constant 0 : index
      %get3A_1022 = vector.load %arg5[%get3A_1020, %get3A_1021] : memref<512x1024xf32, #tpu.memory_space<vmem>>, vector<8x1024xf32>
      %max3A_1023 = arith.maximumf %max3A_1007, %get3A_1022 : vector<8x1024xf32>
      %get3A_1024 = arith.constant 352 : index
      %get3A_1025 = arith.constant 0 : index
      %get3A_1026 = vector.load %arg5[%get3A_1024, %get3A_1025] : memref<512x1024xf32, #tpu.memory_space<vmem>>, vector<8x1024xf32>
      %max3A_1027 = arith.maximumf %max3A_1011, %get3A_1026 : vector<8x1024xf32>
      %get3A_1028 = arith.constant 360 : index
      %get3A_1029 = arith.constant 0 : index
      %get3A_1030 = vector.load %arg5[%get3A_1028, %get3A_1029] : memref<512x1024xf32, #tpu.memory_space<vmem>>, vector<8x1024xf32>
      %max3A_1031 = arith.maximumf %max3A_1015, %get3A_1030 : vector<8x1024xf32>
      %get3A_1032 = arith.constant 368 : index
      %get3A_1033 = arith.constant 0 : index
      %get3A_1034 = vector.load %arg5[%get3A_1032, %get3A_1033] : memref<512x1024xf32, #tpu.memory_space<vmem>>, vector<8x1024xf32>
      %max3A_1035 = arith.maximumf %max3A_1019, %get3A_1034 : vector<8x1024xf32>
      %get3A_1036 = arith.constant 376 : index
      %get3A_1037 = arith.constant 0 : index
      %get3A_1038 = vector.load %arg5[%get3A_1036, %get3A_1037] : memref<512x1024xf32, #tpu.memory_space<vmem>>, vector<8x1024xf32>
      %max3A_1039 = arith.maximumf %max3A_1023, %get3A_1038 : vector<8x1024xf32>
      %get3A_1040 = arith.constant 384 : index
      %get3A_1041 = arith.constant 0 : index
      %get3A_1042 = vector.load %arg5[%get3A_1040, %get3A_1041] : memref<512x1024xf32, #tpu.memory_space<vmem>>, vector<8x1024xf32>
      %max3A_1043 = arith.maximumf %max3A_1027, %get3A_1042 : vector<8x1024xf32>
      %get3A_1044 = arith.constant 392 : index
      %get3A_1045 = arith.constant 0 : index
      %get3A_1046 = vector.load %arg5[%get3A_1044, %get3A_1045] : memref<512x1024xf32, #tpu.memory_space<vmem>>, vector<8x1024xf32>
      %max3A_1047 = arith.maximumf %max3A_1031, %get3A_1046 : vector<8x1024xf32>
      %get3A_1048 = arith.constant 400 : index
      %get3A_1049 = arith.constant 0 : index
      %get3A_1050 = vector.load %arg5[%get3A_1048, %get3A_1049] : memref<512x1024xf32, #tpu.memory_space<vmem>>, vector<8x1024xf32>
      %max3A_1051 = arith.maximumf %max3A_1035, %get3A_1050 : vector<8x1024xf32>
      %get3A_1052 = arith.constant 408 : index
      %get3A_1053 = arith.constant 0 : index
      %get3A_1054 = vector.load %arg5[%get3A_1052, %get3A_1053] : memref<512x1024xf32, #tpu.memory_space<vmem>>, vector<8x1024xf32>
      %max3A_1055 = arith.maximumf %max3A_1039, %get3A_1054 : vector<8x1024xf32>
      %get3A_1056 = arith.constant 416 : index
      %get3A_1057 = arith.constant 0 : index
      %get3A_1058 = vector.load %arg5[%get3A_1056, %get3A_1057] : memref<512x1024xf32, #tpu.memory_space<vmem>>, vector<8x1024xf32>
      %max3A_1059 = arith.maximumf %max3A_1043, %get3A_1058 : vector<8x1024xf32>
      %get3A_1060 = arith.constant 424 : index
      %get3A_1061 = arith.constant 0 : index
      %get3A_1062 = vector.load %arg5[%get3A_1060, %get3A_1061] : memref<512x1024xf32, #tpu.memory_space<vmem>>, vector<8x1024xf32>
      %max3A_1063 = arith.maximumf %max3A_1047, %get3A_1062 : vector<8x1024xf32>
      %get3A_1064 = arith.constant 432 : index
      %get3A_1065 = arith.constant 0 : index
      %get3A_1066 = vector.load %arg5[%get3A_1064, %get3A_1065] : memref<512x1024xf32, #tpu.memory_space<vmem>>, vector<8x1024xf32>
      %max3A_1067 = arith.maximumf %max3A_1051, %get3A_1066 : vector<8x1024xf32>
      %get3A_1068 = arith.constant 440 : index
      %get3A_1069 = arith.constant 0 : index
      %get3A_1070 = vector.load %arg5[%get3A_1068, %get3A_1069] : memref<512x1024xf32, #tpu.memory_space<vmem>>, vector<8x1024xf32>
      %max3A_1071 = arith.maximumf %max3A_1055, %get3A_1070 : vector<8x1024xf32>
      %get3A_1072 = arith.constant 448 : index
      %get3A_1073 = arith.constant 0 : index
      %get3A_1074 = vector.load %arg5[%get3A_1072, %get3A_1073] : memref<512x1024xf32, #tpu.memory_space<vmem>>, vector<8x1024xf32>
      %max3A_1075 = arith.maximumf %max3A_1059, %get3A_1074 : vector<8x1024xf32>
      %get3A_1076 = arith.constant 456 : index
      %get3A_1077 = arith.constant 0 : index
      %get3A_1078 = vector.load %arg5[%get3A_1076, %get3A_1077] : memref<512x1024xf32, #tpu.memory_space<vmem>>, vector<8x1024xf32>
      %max3A_1079 = arith.maximumf %max3A_1063, %get3A_1078 : vector<8x1024xf32>
      %get3A_1080 = arith.constant 464 : index
      %get3A_1081 = arith.constant 0 : index
      %get3A_1082 = vector.load %arg5[%get3A_1080, %get3A_1081] : memref<512x1024xf32, #tpu.memory_space<vmem>>, vector<8x1024xf32>
      %max3A_1083 = arith.maximumf %max3A_1067, %get3A_1082 : vector<8x1024xf32>
      %get3A_1084 = arith.constant 472 : index
      %get3A_1085 = arith.constant 0 : index
      %get3A_1086 = vector.load %arg5[%get3A_1084, %get3A_1085] : memref<512x1024xf32, #tpu.memory_space<vmem>>, vector<8x1024xf32>
      %max3A_1087 = arith.maximumf %max3A_1071, %get3A_1086 : vector<8x1024xf32>
      %get3A_1088 = arith.constant 480 : index
      %get3A_1089 = arith.constant 0 : index
      %get3A_1090 = vector.load %arg5[%get3A_1088, %get3A_1089] : memref<512x1024xf32, #tpu.memory_space<vmem>>, vector<8x1024xf32>
      %max3A_1091 = arith.maximumf %max3A_1075, %get3A_1090 : vector<8x1024xf32>
      %get3A_1092 = arith.constant 488 : index
      %get3A_1093 = arith.constant 0 : index
      %get3A_1094 = vector.load %arg5[%get3A_1092, %get3A_1093] : memref<512x1024xf32, #tpu.memory_space<vmem>>, vector<8x1024xf32>
      %max3A_1095 = arith.maximumf %max3A_1079, %get3A_1094 : vector<8x1024xf32>
      %get3A_1096 = arith.constant 496 : index
      %get3A_1097 = arith.constant 0 : index
      %get3A_1098 = vector.load %arg5[%get3A_1096, %get3A_1097] : memref<512x1024xf32, #tpu.memory_space<vmem>>, vector<8x1024xf32>
      %max3A_1099 = arith.maximumf %max3A_1083, %get3A_1098 : vector<8x1024xf32>
      %get3A_1100 = arith.constant 504 : index
      %get3A_1101 = arith.constant 0 : index
      %get3A_1102 = vector.load %arg5[%get3A_1100, %get3A_1101] : memref<512x1024xf32, #tpu.memory_space<vmem>>, vector<8x1024xf32>
      %max3A_1103 = arith.maximumf %max3A_1087, %get3A_1102 : vector<8x1024xf32>
      %add3A_1104 = arith.constant 4 : i32
      %add3A_1105 = arith.addi %add3A_841, %add3A_1104 : i32
      %lt3A_1106 = arith.constant 52 : i32
      %lt3A_1107 = arith.cmpi slt, %add3A_1105, %lt3A_1106 : i32
      %convert_element_type3A_1108 = arith.extui %lt3A_1107 : i1 to i32
      %cond3A_1109 = arith.constant 0 : i32
      %cond3A_1110 = arith.cmpi ne, %convert_element_type3A_1108, %cond3A_1109 : i32
      scf.if %cond3A_1110 {
        %add3A_1111 = arith.constant 4 : i32
        %add3A_1112 = arith.addi %add3A_841, %add3A_1111 : i32
        %mul3A_1113 = arith.constant 512 : i32
        %mul3A_1114 = arith.muli %add3A_1112, %mul3A_1113 : i32
        %add3A_1115 = arith.constant 6144 : i32
        %add3A_1116 = arith.addi %add3A_1115, %mul3A_1114 : i32
        %dma_start3A_1117 = arith.constant 0 : i32
        %dma_start3A_1118 = tpu.memref_slice %arg0[%add3A_1116, %dma_start3A_1117] : memref<32768x1024xf32, #tpu.memory_space<any>> -> memref<512x1024xf32, #tpu.memory_space<any>>
        tpu.enqueue_dma source(%dma_start3A_1118 : memref<512x1024xf32, #tpu.memory_space<any>>) target(%arg5 : memref<512x1024xf32, #tpu.memory_space<vmem>>) target_semaphore(%arg9 : memref<!tpu.dma_semaphore, #tpu.memory_space<semaphore_mem>>)
      } else {
      }
      scf.yield %max3A_1091, %max3A_1095, %max3A_1099, %max3A_1103 : vector<8x1024xf32>, vector<8x1024xf32>, vector<8x1024xf32>, vector<8x1024xf32>
    }
    %scan3A_16 = arith.constant 13 : i32
    %max3A = arith.maximumf %scan3A_15#0, %scan3A_15#1 : vector<8x1024xf32>
    %max3A_17 = arith.maximumf %scan3A_15#2, %scan3A_15#3 : vector<8x1024xf32>
    %max3A_18 = arith.maximumf %max3A, %max3A_17 : vector<8x1024xf32>
    %swap3A = arith.constant 0 : index
    %swap3A_19 = arith.constant 0 : index
    %swap3A_20 = vector.load %arg1[%swap3A, %swap3A_19] : memref<8x1024xf32, #tpu.memory_space<vmem>>, vector<8x1024xf32>
    tpu.vector_store %arg1[%swap3A, %swap3A_19], %max3A_18 {strides = array<i32>} : memref<8x1024xf32, #tpu.memory_space<vmem>>, vector<8x1024xf32>,
    return
  }
}

</mosaic_0001>

<sc_bundles>
// kernel: kernel.5.cloned.1.call-start
scs
__scs_entry_jumppad:
0x0: {  	(pc) =	sbr.rel $0x88, $3  }
0x1: {  	(tag) =	ssettag $0x0;
	lr =	simm.s32 $0x1  }
0x2: {  	[smem:$0x3FA0] =	sst lr;
	_ =	strace $0xD0000000  }
0x3: {  	_ = 	snop  }
0x4: {  	_ = 	snop  }
0x5: {  	_ = 	snop  }
0x6: {  	_ = 	snop  }
0x7: {  	_ = 	snop  }
__scs_overlays_trampoline_lowered:
0x8: {  	[smem:$0x3FAF] =	sst s0  }
0x9: {  	[smem:$0x3FB0] =	sst s1  }
0xa: {  	[smem:$0x3FB1] =	sst s2  }
0xb: {  	[smem:$0x3FB2] =	sst s3  }
0xc: {  	[smem:$0x3FB3] =	sst s4  }
0xd: {  	[smem:$0x3FB4] =	sst s5  }
0xe: {  	[smem:$0x3FB5] =	sst s6  }
0xf: {  	[smem:$0x3FB6] =	sst s7  }
0x10: {  	[smem:$0x3FB7] =	sst s8  }
0x11: {  	[smem:$0x3FB8] =	sst s9;
	s0 =	simm.s32 @!p0 $0x0  }
0x12: {  	s1 =	sld [smem:$0x3F9E];
	s0 =	simm.s32 @p0 $0x1  }
0x13: {  	[smem:$0x3FB9] =	sst s0;
	s0 =	simm.s32 @!p1 $0x0  }
0x14: {  	s2 =	sld [smem:$0x3F9D];
	s0 =	simm.s32 @p1 $0x1  }
0x15: {  	[smem:$0x3FBA] =	sst s0;
	s0 =	simm.s32 @!p2 $0x0  }
0x16: {  	s3 =	sld [smem:$0x3FDB];
	s0 =	simm.s32 @p2 $0x1  }
0x17: {  	s4 =	simm.s32 $0x1BF5;
	[smem:$0x3FBC] =	sst s0  }
0x18: {  	s0 =	sld [smem:$0x3F9F];
	_ =	swait.ge [sflag:s4], $0x0  }
0x19: {  	s7 =	sld [smem:$0x3FA0]  }
0x1a: {  	s8 =	sadd.s32 $0xFFFFE003, lr  }
0x1b: {  	s9 =	sadd.s32 $0xFFFFFEF7, lr;
	s5 =	simm.s32 $0xFFFFFFFF;
	p2 =	slt.u32 s8, $0xFFFFF086  }
0x1c: {  	p1 =	slt.u32 s9, $0xF7A;
	s5 =	simm.s32 @!p2 $0x0  }
0x1d: {  	s5 =	simm.s32 @p1 $0x1;
	p0 =	seq.s32 s7, s2  }
0x1e: {  	s7 =	smul.u32 @!p0 $0xF7A, s2;
	p2 =	seq.s32 @!p0 s5, $0x0  }
0x1f: {  	s9 =	smul.u32 $0xF7A, s1;
	s8 =	simm.s32 @!p0 $0x1BF5;
	p2 =	por !p2, p0  }
0x20: {  	[sflag:s8] =	ssyncset.s32 @!p0 $0xFFFFF086;
	s6 =	sadd.s32 @!p0 s3, s7;
	s7 =	simm.s32 @!p0 $0x108  }
0x21: {  	s3 =	sadd.s32 s3, s9;
	s6 =	sadd.s32 @!p0 $0x88, s6;
	s7 =	simm.s32 @p2 $0x1082  }
0x22: {  	[simem:s7], [sflag:s8] =	dma.local @!p0 [hbm:s6], $0xF7A  }
0x23: {  	s9 =	sor.u32 $0xD0000000, s2;
	s6 =	simm.s32 $0x108;
	_ =	swait.ge @!p0 [sflag:s8], $0x0  }
0x24: {  	s3 =	sadd.s32 $0x88, s3;
	s6 =	simm.s32 @!p1 $0x1082;
	[sflag:s4] =	ssyncset.s32 $0xFFFFF086  }
0x25: {  	[simem:s6], [sflag:s4] =	dma.local [hbm:s3], $0xF7A  }
0x26: {  	[smem:$0x3FA0] =	sst s1;
	(tag) =	ssettag s2;
	_ =	strace s9  }
0x27: {  	s1 =	sld [smem:$0x3FB0]  }
0x28: {  	s2 =	sld [smem:$0x3FB1]  }
0x29: {  	s4 =	sld [smem:$0x3FB3]  }
0x2a: {  	p0 =	seq.s32 s5, $0x0;
	s5 =	sld [smem:$0x3FB4]  }
0x2b: {  	s6 =	sld [smem:$0x3FB5]  }
0x2c: {  	s7 =	sld [smem:$0x3FB6]  }
0x2d: {  	s3 =	simm.s32 $0x108;
	s8 =	sld [smem:$0x3FB7]  }
0x2e: {  	s3 =	simm.s32 @!p0 $0x1082;
	s9 =	sld [smem:$0x3FB8]  }
0x2f: {  	lr =	sadd.s32 s0, s3;
	s0 =	sld [smem:$0x3FAF]  }
0x30: {  	s3 =	sld [smem:$0x3FB2]  }
0x31: {  	[smem:$0x3FBB] =	sst s10  }
0x32: {  	s10 =	sld [smem:$0x3FB9];
	_ =	sdelay $0x3  }
0x33: {  	p0 =	seq.s32 s10, $0x1;
	s10 =	sld [smem:$0x3FBB];
	_ =	sdelay $0x3  }
0x34: {  	[smem:$0x3FBB] =	sst s10  }
0x35: {  	s10 =	sld [smem:$0x3FBA];
	_ =	sdelay $0x3  }
0x36: {  	p1 =	seq.s32 s10, $0x1;
	s10 =	sld [smem:$0x3FBB];
	_ =	sdelay $0x3  }
0x37: {  	[smem:$0x3FBB] =	sst s10  }
0x38: {  	s10 =	sld [smem:$0x3FBC]  }
0x39: {  	_ = 	snop;
	(pc) =	sbr.ind lr, $3  }
0x3a: {  	_ = 	snop  }
0x3b: {  	_ = 	snop  }
0x3c: {  	p2 =	seq.s32 s10, $0x1;
	s10 =	sld [smem:$0x3FBB]  }
0x3d: {  	_ =	shalt  }
0x3e: {  	_ =	shalt  }
0x3f: {  	_ =	shalt  }
0x40: {  	_ =	shalt  }
0x41: {  	_ =	shalt  }
0x42: {  	_ =	shalt  }
0x43: {  	_ =	shalt  }
0x44: {  	_ =	shalt  }
0x45: {  	_ =	shalt  }
0x46: {  	_ =	shalt  }
0x47: {  	_ =	shalt  }
0x48: {  	_ =	shalt  }
0x49: {  	_ =	shalt  }
0x4a: {  	_ =	shalt  }
0x4b: {  	_ =	shalt  }
0x4c: {  	_ =	shalt  }
0x4d: {  	_ =	shalt  }
0x4e: {  	_ =	shalt  }
0x4f: {  	_ =	shalt  }
0x50: {  	_ =	shalt  }
0x51: {  	_ =	shalt  }
0x52: {  	_ =	shalt  }
0x53: {  	_ =	shalt  }
0x54: {  	_ =	shalt  }
0x55: {  	_ =	shalt  }
0x56: {  	_ =	shalt  }
0x57: {  	_ =	shalt  }
0x58: {  	_ =	shalt  }
0x59: {  	_ =	shalt  }
0x5a: {  	_ =	shalt  }
0x5b: {  	_ =	shalt  }
0x5c: {  	_ =	shalt  }
0x5d: {  	_ =	shalt  }
0x5e: {  	_ =	shalt  }
0x5f: {  	_ =	shalt  }
0x60: {  	_ =	shalt  }
0x61: {  	_ =	shalt  }
0x62: {  	_ =	shalt  }
0x63: {  	_ =	shalt  }
0x64: {  	_ =	shalt  }
0x65: {  	_ =	shalt  }
0x66: {  	_ =	shalt  }
0x67: {  	_ =	shalt  }
0x68: {  	_ =	shalt  }
0x69: {  	_ =	shalt  }
0x6a: {  	_ =	shalt  }
0x6b: {  	_ =	shalt  }
0x6c: {  	_ =	shalt  }
0x6d: {  	_ =	shalt  }
0x6e: {  	_ =	shalt  }
0x6f: {  	_ =	shalt  }
0x70: {  	_ =	shalt  }
0x71: {  	_ =	shalt  }
0x72: {  	_ =	shalt  }
0x73: {  	_ =	shalt  }
0x74: {  	_ =	shalt  }
0x75: {  	_ =	shalt  }
0x76: {  	_ =	shalt  }
0x77: {  	_ =	shalt  }
0x78: {  	_ =	shalt  }
0x79: {  	_ =	shalt  }
0x7a: {  	_ =	shalt  }
0x7b: {  	_ =	shalt  }
0x7c: {  	_ =	shalt  }
0x7d: {  	_ =	shalt  }
0x7e: {  	_ =	shalt  }
0x7f: {  	_ =	shalt  }
0x80: {  	_ =	shalt  }
0x81: {  	_ =	shalt  }
0x82: {  	_ =	shalt  }
0x83: {  	_ =	shalt  }
0x84: {  	_ =	shalt  }
0x85: {  	_ =	shalt  }
0x86: {  	_ =	shalt  }
0x87: {  	_ =	shalt  }
.Lfunc_end0:
.L_simem_size_0:
called_computation_lowered:
.L_overlay_start_0:
0x88: {  	s2 =	sld [smem:$0x3FD9]  }
0x89: {  	s3 =	sld [smem:$0x3FFE];
	_ =	sdelay $0x1  }
0x8a: {  	s1 =	srdreg.scid  }
0x8b: {  	s0 =	sand.u32 $0x1, s1  }
0x8c: {  	s17 =	sshll.u32 s0, $0xA;
	s2 =	sadd.s32 s3, s2  }
0x8d: {  	s2 =	sadd.s32 s2, s17  }
0x8e: {  	[smem:$0x3FC7] =	sst s2  }
0x8f: {  	_ = 	snop  }
0x90: {  	s2 =	sld [smem:$0x3FC9];
	(tm) =	ssettm $0x1  }
0x91: {  	s18 =	sld [smem:$0x3FFB];
	_ =	sdelay $0x3  }
0x92: {  	_ =	strace s18  }
0x93: {  	s3 =	sld [smem:$0x3FFC];
	_ =	sdelay $0x3  }
0x94: {  	_ =	strace s3  }
0x95: {  	s3 =	sld [smem:$0x3FFD];
	_ =	sdelay $0x3  }
0x96: {  	_ =	strace s3  }
0x97: {  	_ =	strace $0x8FFFFFFF  }
0x98: {  	s19 =	sld [smem:$0x3FDB];
	_ =	sdelay $0x1  }
0x99: {  	s4 =	simm.s32 $_scs_section_size  }
0x9a: {  	s5 =	simm.s32 $_size__tile_overlayer_lowered;
	s6 =	simm.s32 $_tile_overlayer_lowered  }
0x9b: {  	s22 =	simm.s32 $0x1BFF;
	s21 =	sshll.u32 s6, $0x1;
	s3 =	sadd.s32 s4, s19  }
0x9c: {  	s7 =	simm.s32 $0x0;
	s20 =	sshll.u32 s5, $0x1;
	s5 =	sadd.s32 s21, s3  }
0x9d: {  	[timem:s7], [sflag:s22] =	dma.local [hbm:s5], s20  }
0x9e: {  	_ =	swait.ge [sflag:s22], s20  }
0x9f: {  	s4 =	ssub.s32 $0x0, s20;
	[sflag:s22] =	ssyncset.done $0x0  }
0xa0: {  	[sflag:s22] =	ssyncadd.s32 s4;
	_ =	sdelay $0x1  }
0xa1: {  	s23 =	simm.s32 $0x1B8B  }
0xa2: {  	_ =	swait.ge [sflag:s23], $0x1  }
0xa3: {  	[sflag:s23] =	ssyncset.done $0x0  }
0xa4: {  	s25 =	simm.s32 $0x1B8E;
	s24 =	sld [smem:$0x3FFE];
	[sflag:s23] =	ssyncadd.s32 $0xFFFFFFFF  }
0xa5: {  	s26 =	simm.s32 $execute0_lowered;
	[smem:$0x3FD2] =	sst s25  }
0xa6: {  	s5 =	sshll.u32 s26, $0x1;
	_ =	strace $0x80000046;
	[dreg:$0x1] =	wrdreg $0xFFFFFFFF  }
0xa7: {  	s28 =	simm.s32 $_size_execute0_lowered;
	s3 =	sadd.s32 s3, s5;
	[dreg:$0x0] =	wrdreg $0x0  }
0xa8: {  	s5 =	sshll.u32 s28, $0x1;
	[dreg:$0x2] =	wrdreg s3  }
0xa9: {  	[dreg:$0x3] =	wrdreg s5  }
0xaa: {  	[dreg:$0x4] =	wrdreg $0xC0  }
0xab: {  	_ =	task [dreg:s7], $0x5FFFF  }
0xac: {  	[dreg:$0x1] =	wrdreg $0xFFFFFFFF  }
0xad: {  	[dreg:$0x0] =	wrdreg $0x60  }
0xae: {  	[dreg:$0x2] =	wrdreg s2  }
0xaf: {  	[dreg:$0x3] =	wrdreg s24  }
0xb0: {  	[dreg:$0x4] =	wrdreg $0x9  }
0xb1: {  	_ =	task.clear_ibuf [dreg:s7], $0x5FFFF;
	_ =	strace $0x90000046  }
0xb2: {  	s29 =	simm.s32 $0x9;
	_ =	strace $0x80000048  }
0xb3: {  	_ =	swait.ge [sflag:s29], $0x1  }
0xb4: {  	[sflag:s29] =	ssyncadd.s32 $0xFFFFFFFF  }
0xb5: {  	_ =	strace $0x90000048  }
0xb6: {  	_ =	sfence  }
0xb7: {  	s30 =	sld [smem:$0x0];
	_ =	sdelay $0x2  }
0xb8: {  	s31 =	sshll.u32 s1, $0xD;
	s1 =	sshrl.u32 s1, $0x2  }
0xb9: {  	s3 =	sand.u32 $0x4000, s31;
	s1 =	sadd.s32 s1, s30  }
0xba: {  	s0 =	sor.u32 s3, s0;
	s1 =	sshll.u32 s1, $0x11  }
0xbb: {  	s0 =	sor.u32 s1, s0  }
0xbc: {  	s0 =	sadd.s32 $0x8F2B, s0  }
0xbd: {  	[sflag:s0] =	ssyncadd.remote.s32 $0x1  }
0xbe: {  	_ =	sfence.sel $0xFFFF  }
0xbf: {  	[dreg:$0x0] =	wrdreg $0xFFFFFFFF;
	(pc) =	sbr.abs _section_cstart, $3  }
0xc0: {  	[dreg:$0x1] =	wrdreg $0xFFFFFFFF  }
0xc1: {  	_ =	task.clear_ibuf [dreg:s7], $0x2FFFF;
	_ =	strace $0x9FFFFFFF  }
0xc2: {  	(tm) =	ssettm $0x7FFFFFFF  }
0xc3: {  	_ =	shalt  }
tec
execute0_lowered:
.L_overlay_start_1:
0x0: {  	(tag) =	ssettag $0x1  }
0x1: {  	s2 =	rddreg [dreg:$0x0]  }
0x2: {  	s4 =	rddreg [dreg:$0x1]  }
0x3: {  	s0 =	rddreg [dreg:$0x2];
	s5 =	srdreg.scid  }
0x4: {  	s1 =	stileid.u32;
	s3 =	simm.s32 $0x0;
	s11 =	simm.s32 $0x1  }
0x5: {  	s12 =	simm.s32 $0x2;
	s5 =	sand.u32 $0x1, s5;
	s6 =	sshll.u32 s1, $0x1  }
0x6: {  	s13 =	simm.s32 $0x10000;
	s14 =	simm.s32 $0x3;
	s6 =	sor.u32 s5, s6  }
0x7: {  	s15 =	simm.s32 $0x0;
	[smem:$0x7FF] =	sst s3;
	s7 =	smul.u32 $0x6000, s6  }
.Ltmp0:
0x8: {  	_ =	strace $0x80000047;
	s5 =	ssub.s32 $0x2, s5;
	(pc) =	sbr.rel .LBB2_1-.Ltmp0, $4  }
0x9: {  	s8 =	sshll.u32 s6, $0x4;
	s9 =	smul.u32 $0x30000, s6;
	s31 =	sshrl.u32 s5, $0x1  }
0xa: {  	s8 =	sadd.s32 s8, s4;
	s10 =	ssub.s32 s5, s31;
	s4 =	sadd.s32 s2, s7  }
0xb: {  	s6 =	sadd.s32 $0x10000, s9;
	s7 =	sadd.s32 $0x18000, s9;
	s8 =	sadd.s32 $0x600, s8  }
0xc: {  	s9 =	smax.u32 s10, $0x1;
	s10 =	simm.s32 $0x8000;
	s5 =	sadd.s32 $0x1000, s4  }
.LBB2_8:
0xd: {  	v0 =	vmax.f32 v21, v20  }
0xe: {  	v1 =	vmax.f32 v26, v24;
	v2 =	vmax.f32 v22, v8;
	v3 =	vmax.f32 v6, v4  }
0xf: {  	s15 =	sadd.s32 $0x1, s15;
	v0 =	vmax.f32 v0, v1;
	v63 =	vmax.f32 v2, v3  }
0x10: {  	p0 =	sne.s32 s15, s9;
	v0 =	vmax.f32 v0, v63  }
.Ltmp1:
0x11: {  	[tilespmem:$0x10000] =	vst v0;
	(pc) =	sbr.rel @!p0 .LBB2_9-.Ltmp1, $4  }
0x12: {  	[hbm4b:s8+s3] =	stream.linear.scatter [tilespmem:s13], [sflag:$0x3], $0x80, $0x38;
	[tilespmem:$0x10080] =	vst v63  }
0x13: {  	_ =	swait.ge [sflag:s14], $0x80  }
0x14: {  	[sflag:s14] =	ssyncset.done $0x0  }
0x15: {  	[sflag:s14] =	ssyncadd.s32 $0xFFFFFF80  }
.LBB2_1:
0x16: {  	[tilespmem:s3], [sflag:$0x1] =	stream.linear.gather [hbm4b:s4+s3], $0x8000, $0x38;
	v4 =	vimm.f32 $-Inf;
	v6 =	vimm.f32 $-Inf;
	[tilespmem:$0x10080] =	vst v63  }
0x17: {  	v8 =	vimm.f32 $-Inf;
	v22 =	vimm.f32 $-Inf;
	v24 =	vimm.f32 $-Inf;
	s16 =	simm.s32 $0x0  }
0x18: {  	v26 =	vimm.f32 $-Inf;
	v20 =	vimm.f32 $-Inf;
	v21 =	vimm.f32 $-Inf;
	[tilespmem:s10], [sflag:$0x2] =	stream.linear.gather [hbm4b:s5+s3], $0x8000, $0x38;
	[tilespmem:$0x10080] =	vst v63  }
.LBB2_2:
0x19: {  	_ =	swait.ge [sflag:s11], $0x8000;
	s17 =	simm.s32 $0x0;
	s18 =	simm.s32 $0x0  }
0x1a: {  	[sflag:s11] =	ssyncset.done $0x0;
	s18 =	sand.u32 $0x6000, s18;
	s19 =	sand.u32 $0x380, s17  }
0x1b: {  	[sflag:s11] =	ssyncadd.s32 $0xFFFF8000;
	s18 =	sor.u32 s19, s18  }
0x1c: {  	v0 =	vld [tilespmem:s18+$0x1800]  }
0x1d: {  	v3 =	vld [tilespmem:s18+$0x1810]  }
0x1e: {  	v15 =	vld [tilespmem:s18+$0x1820]  }
0x1f: {  	v17 =	vld [tilespmem:s18+$0x1830]  }
0x20: {  	v19 =	vld [tilespmem:s18+$0x1840]  }
0x21: {  	v2 =	vld [tilespmem:s18+$0x1850]  }
0x22: {  	v1 =	vld [tilespmem:s18+$0x1860]  }
0x23: {  	v43 =	vld [tilespmem:s18+$0x1870]  }
0x24: {  	v5 =	vld [tilespmem:s18+$0x1400]  }
0x25: {  	v7 =	vld [tilespmem:s18+$0x1410]  }
0x26: {  	v29 =	vld [tilespmem:s18+$0x1420]  }
0x27: {  	v30 =	vld [tilespmem:s18+$0x1430]  }
0x28: {  	v31 =	vld [tilespmem:s18+$0x1440]  }
0x29: {  	v11 =	vld [tilespmem:s18+$0x1450]  }
0x2a: {  	v10 =	vld [tilespmem:s18+$0x1460]  }
0x2b: {  	v9 =	vld [tilespmem:s18+$0x1470]  }
0x2c: {  	v12 =	vld [tilespmem:s18+$0x1000]  }
0x2d: {  	v13 =	vld [tilespmem:s18+$0x1010]  }
0x2e: {  	v39 =	vld [tilespmem:s18+$0x1020]  }
0x2f: {  	v40 =	vld [tilespmem:s18+$0x1030]  }
0x30: {  	v41 =	vld [tilespmem:s18+$0x1040]  }
0x31: {  	v18 =	vld [tilespmem:s18+$0x1050]  }
0x32: {  	v16 =	vld [tilespmem:s18+$0x1060]  }
0x33: {  	v14 =	vld [tilespmem:s18+$0xC00]  }
0x34: {  	v23 =	vld [tilespmem:s18+$0xC10]  }
0x35: {  	v45 =	vld [tilespmem:s18+$0xC20]  }
0x36: {  	v46 =	vld [tilespmem:s18+$0xC30]  }
0x37: {  	v47 =	vld [tilespmem:s18+$0xC40]  }
0x38: {  	v28 =	vld [tilespmem:s18+$0xC50]  }
0x39: {  	v27 =	vld [tilespmem:s18+$0xC60]  }
0x3a: {  	v25 =	vld [tilespmem:s18+$0x800]  }
0x3b: {  	v32 =	vld [tilespmem:s18+$0x810]  }
0x3c: {  	v51 =	vld [tilespmem:s18+$0x820]  }
0x3d: {  	v52 =	vld [tilespmem:s18+$0x830]  }
0x3e: {  	v53 =	vld [tilespmem:s18+$0x840]  }
0x3f: {  	v37 =	vld [tilespmem:s18+$0x850]  }
0x40: {  	v38 =	vld [tilespmem:s18+$0x860]  }
0x41: {  	v33 =	vld [tilespmem:s18+$0x400]  }
0x42: {  	v34 =	vld [tilespmem:s18+$0x410]  }
0x43: {  	v35 =	vld [tilespmem:s18+$0x0]  }
0x44: {  	v36 =	vld [tilespmem:s18+$0x10]  }
0x45: {  	v56 =	vld [tilespmem:s18+$0x420]  }
0x46: {  	v58 =	vld [tilespmem:s18+$0x430]  }
0x47: {  	s30 =	sand.u32 $0x7, s17;
	v60 =	vld [tilespmem:s18+$0x440]  }
0x48: {  	s19 =	sshll.u32 s30, $0x7;
	v42 =	vld [tilespmem:s18+$0x20]  }
0x49: {  	s22 =	sadd.s32 $0x0, s19;
	v48 =	vld [tilespmem:s18+$0x30]  }
0x4a: {  	v50 =	vld [tilespmem:s18+$0x40];
	s19 =	sor.u32 $0x1C00, s22;
	v21 =	vmax.f32 v21, v35;
	v20 =	vmax.f32 v20, v36  }
0x4b: {  	s31 =	sor.u32 $0x1C10, s22;
	v49 =	vld [tilespmem:s19+$0x0];
	v21 =	vmax.f32 v21, v33;
	v20 =	vmax.f32 v20, v34  }
0x4c: {  	v21 =	vmax.f32 v21, v25;
	v20 =	vmax.f32 v20, v32;
	v25 =	vld [tilespmem:s31+$0x0]  }
0x4d: {  	v54 =	vld [tilespmem:s18+$0x450];
	v14 =	vmax.f32 v21, v14;
	v20 =	vmax.f32 v20, v23  }
0x4e: {  	v55 =	vld [tilespmem:s18+$0x460];
	v12 =	vmax.f32 v14, v12;
	v13 =	vmax.f32 v20, v13  }
0x4f: {  	v57 =	vld [tilespmem:s18+$0x50];
	v62 =	vmax.f32 v24, v48;
	v5 =	vmax.f32 v12, v5;
	v7 =	vmax.f32 v13, v7  }
0x50: {  	s21 =	simm.s32 $0x0;
	v59 =	vld [tilespmem:s18+$0x60];
	s20 =	sor.u32 $0x1C20, s22;
	v63 =	vmax.f32 v22, v50;
	v0 =	vmax.f32 v5, v0;
	v3 =	vmax.f32 v7, v3  }
0x51: {  	s23 =	sor.u32 $0x1C30, s22;
	s19 =	simm.s32 $0xFFFF8000;
	v61 =	vld [tilespmem:s20+$0x0];
	s20 =	simm.s32 $0x80;
	v20 =	vmax.f32 v0, v49;
	v21 =	vmax.f32 v3, v25;
	v0 =	vmax.f32 v26, v42  }
.LBB2_3:
0x52: {  	p0 =	sne.s32 s20, $0xF80;
	v0 =	vmax.f32 v0, v56;
	v3 =	vmax.f32 v62, v58;
	v5 =	vmax.f32 v63, v60;
	v7 =	vld [tilespmem:s23+$0x0];
	s23 =	sor.u32 $0x1C40, s22  }
0x53: {  	v0 =	vmax.f32 v0, v51;
	v3 =	vmax.f32 v3, v52;
	v5 =	vmax.f32 v5, v53;
	v12 =	vld [tilespmem:s23+$0x0]  }
0x54: {  	v13 =	vld [tilespmem:s18+$0x70];
	v0 =	vmax.f32 v0, v45;
	v3 =	vmax.f32 v3, v46;
	v5 =	vmax.f32 v5, v47  }
0x55: {  	v14 =	vld [tilespmem:s18+$0x470];
	v0 =	vmax.f32 v0, v39;
	v3 =	vmax.f32 v3, v40;
	v5 =	vmax.f32 v5, v41  }
0x56: {  	v22 =	vld [tilespmem:s18+$0x870];
	v0 =	vmax.f32 v0, v29;
	v3 =	vmax.f32 v3, v30;
	v5 =	vmax.f32 v5, v31  }
0x57: {  	v23 =	vld [tilespmem:s18+$0xC70];
	v0 =	vmax.f32 v0, v15;
	v15 =	vmax.f32 v3, v17;
	v17 =	vmax.f32 v5, v19  }
0x58: {  	s19 =	sadd.s32 $0x400, s19;
	v19 =	vld [tilespmem:s18+$0x1070];
	v3 =	vmax.f32 v0, v61;
	v5 =	vmax.f32 v15, v7;
	v7 =	vmax.f32 v17, v12;
	s18 =	sor.u32 $0x1C50, s22  }
0x59: {  	s23 =	sadd.s32 $0x8000, s19;
	v6 =	vmax.f32 v6, v59;
	v0 =	vmax.f32 v8, v57;
	v4 =	vmax.f32 v4, v13;
	v8 =	vld [tilespmem:s18+$0x0];
	s18 =	sor.u32 $0x1C60, s22  }
0x5a: {  	s24 =	sand.u32 $0x380, s20;
	s23 =	sand.u32 $0x6000, s23;
	v6 =	vmax.f32 v6, v55;
	v0 =	vmax.f32 v0, v54;
	s22 =	sor.u32 $0x1C70, s22;
	v4 =	vmax.f32 v4, v14;
	v14 =	vld [tilespmem:s18+$0x0]  }
0x5b: {  	v6 =	vmax.f32 v6, v38;
	s18 =	sor.u32 s24, s23;
	v0 =	vmax.f32 v0, v37;
	v4 =	vmax.f32 v4, v22;
	v22 =	vld [tilespmem:s22+$0x0]  }
0x5c: {  	v6 =	vmax.f32 v6, v27;
	v0 =	vmax.f32 v0, v28;
	v12 =	vld [tilespmem:s18+$0x1800];
	v4 =	vmax.f32 v4, v23  }
0x5d: {  	v6 =	vmax.f32 v6, v16;
	v0 =	vmax.f32 v0, v18;
	v13 =	vld [tilespmem:s18+$0x1810];
	v4 =	vmax.f32 v4, v19  }
0x5e: {  	v6 =	vmax.f32 v6, v10;
	v0 =	vmax.f32 v0, v11;
	v15 =	vld [tilespmem:s18+$0x1820];
	v4 =	vmax.f32 v4, v9  }
0x5f: {  	v1 =	vmax.f32 v6, v1;
	v0 =	vmax.f32 v0, v2;
	v17 =	vld [tilespmem:s18+$0x1830];
	v2 =	vmax.f32 v4, v43  }
0x60: {  	v8 =	vmax.f32 v0, v8;
	v6 =	vmax.f32 v1, v14;
	v19 =	vld [tilespmem:s18+$0x1840];
	v4 =	vmax.f32 v2, v22  }
0x61: {  	v2 =	vld [tilespmem:s18+$0x1850]  }
0x62: {  	v1 =	vld [tilespmem:s18+$0x1860]  }
0x63: {  	v43 =	vld [tilespmem:s18+$0x1870]  }
0x64: {  	v0 =	vld [tilespmem:s18+$0x1400]  }
0x65: {  	v14 =	vld [tilespmem:s18+$0x1410]  }
0x66: {  	v29 =	vld [tilespmem:s18+$0x1420]  }
0x67: {  	v30 =	vld [tilespmem:s18+$0x1430]  }
0x68: {  	v31 =	vld [tilespmem:s18+$0x1440]  }
0x69: {  	v11 =	vld [tilespmem:s18+$0x1450]  }
0x6a: {  	v10 =	vld [tilespmem:s18+$0x1460]  }
0x6b: {  	v9 =	vld [tilespmem:s18+$0x1470]  }
0x6c: {  	v22 =	vld [tilespmem:s18+$0x1000]  }
0x6d: {  	v23 =	vld [tilespmem:s18+$0x1010]  }
0x6e: {  	v39 =	vld [tilespmem:s18+$0x1020]  }
0x6f: {  	v40 =	vld [tilespmem:s18+$0x1030]  }
0x70: {  	v41 =	vld [tilespmem:s18+$0x1040]  }
0x71: {  	v18 =	vld [tilespmem:s18+$0x1050]  }
0x72: {  	v16 =	vld [tilespmem:s18+$0x1060]  }
0x73: {  	v24 =	vld [tilespmem:s18+$0xC00]  }
0x74: {  	v25 =	vld [tilespmem:s18+$0xC10]  }
0x75: {  	v45 =	vld [tilespmem:s18+$0xC20]  }
0x76: {  	v46 =	vld [tilespmem:s18+$0xC30]  }
0x77: {  	v47 =	vld [tilespmem:s18+$0xC40]  }
0x78: {  	v28 =	vld [tilespmem:s18+$0xC50]  }
0x79: {  	v27 =	vld [tilespmem:s18+$0xC60]  }
0x7a: {  	v26 =	vld [tilespmem:s18+$0x800]  }
0x7b: {  	v32 =	vld [tilespmem:s18+$0x810]  }
0x7c: {  	v51 =	vld [tilespmem:s18+$0x820]  }
0x7d: {  	v52 =	vld [tilespmem:s18+$0x830]  }
0x7e: {  	v53 =	vld [tilespmem:s18+$0x840]  }
0x7f: {  	v37 =	vld [tilespmem:s18+$0x850]  }
0x80: {  	v38 =	vld [tilespmem:s18+$0x860]  }
0x81: {  	v33 =	vld [tilespmem:s18+$0x400]  }
0x82: {  	v34 =	vld [tilespmem:s18+$0x410]  }
0x83: {  	v35 =	vld [tilespmem:s18+$0x0]  }
0x84: {  	v36 =	vld [tilespmem:s18+$0x10]  }
0x85: {  	s17 =	sadd.s32 $0x1, s17;
	v56 =	vld [tilespmem:s18+$0x420]  }
0x86: {  	s22 =	sand.u32 $0x7, s17;
	v58 =	vld [tilespmem:s18+$0x430]  }
0x87: {  	s21 =	sadd.s32 $0x400, s21;
	s22 =	sshll.u32 s22, $0x7;
	v60 =	vld [tilespmem:s18+$0x440]  }
0x88: {  	s22 =	sadd.s32 s22, s21;
	v42 =	vld [tilespmem:s18+$0x20]  }
0x89: {  	s23 =	sor.u32 $0x1C00, s22;
	v20 =	vmax.f32 v20, v35;
	v21 =	vmax.f32 v21, v36;
	v35 =	vld [tilespmem:s18+$0x30]  }
0x8a: {  	v20 =	vmax.f32 v20, v33;
	v21 =	vmax.f32 v21, v34;
	v33 =	vld [tilespmem:s23+$0x0];
	s23 =	sor.u32 $0x1C10, s22  }
0x8b: {  	v20 =	vmax.f32 v20, v26;
	v21 =	vmax.f32 v21, v32;
	v26 =	vld [tilespmem:s23+$0x0]  }
0x8c: {  	v20 =	vmax.f32 v20, v24;
	v32 =	vld [tilespmem:s18+$0x40];
	v21 =	vmax.f32 v21, v25  }
.Ltmp2:
0x8d: {  	v20 =	vmax.f32 v20, v22;
	v54 =	vld [tilespmem:s18+$0x450];
	v21 =	vmax.f32 v21, v23;
	(pc) =	sbr.rel @p0 .LBB2_3-.Ltmp2, $4  }
0x8e: {  	v0 =	vmax.f32 v20, v0;
	v55 =	vld [tilespmem:s18+$0x460];
	v14 =	vmax.f32 v21, v14  }
0x8f: {  	v0 =	vmax.f32 v0, v12;
	v57 =	vld [tilespmem:s18+$0x50];
	v12 =	vmax.f32 v14, v13  }
0x90: {  	s23 =	sor.u32 $0x1C20, s22;
	v20 =	vmax.f32 v0, v33;
	v59 =	vld [tilespmem:s18+$0x60];
	v21 =	vmax.f32 v12, v26  }
0x91: {  	s20 =	sadd.s32 $0x80, s20;
	v62 =	vmax.f32 v5, v35;
	v0 =	vmax.f32 v3, v42;
	v63 =	vmax.f32 v7, v32;
	v61 =	vld [tilespmem:s23+$0x0];
	s23 =	sor.u32 $0x1C30, s22  }
0x92: {  	v3 =	vld [tilespmem:s23+$0x0];
	_ =	sdelay $0x3  }
0x93: {  	s17 =	sor.u32 $0x1C40, s22  }
0x94: {  	[tilespmem:$0x1FEA0] =	vst v3;
	v3 =	vld [tilespmem:s17+$0x0];
	_ =	sdelay $0x4  }
0x95: {  	[tilespmem:$0x1FEB0] =	vst v3;
	v3 =	vld [tilespmem:s18+$0x70];
	_ =	sdelay $0x4  }
0x96: {  	[tilespmem:$0x1FEC0] =	vst v3;
	v3 =	vld [tilespmem:s18+$0x470];
	_ =	sdelay $0x4  }
0x97: {  	[tilespmem:$0x1FED0] =	vst v3;
	v3 =	vld [tilespmem:s18+$0x870];
	_ =	sdelay $0x4  }
0x98: {  	[tilespmem:$0x1FEE0] =	vst v3;
	v3 =	vld [tilespmem:s18+$0xC70];
	_ =	sdelay $0x4  }
0x99: {  	[tilespmem:$0x1FEF0] =	vst v3;
	v3 =	vld [tilespmem:s18+$0x1070];
	_ =	sdelay $0x3  }
0x9a: {  	s25 =	sor.u32 $0x1C50, s22  }
0x9b: {  	[tilespmem:$0x1FF00] =	vst v3;
	v3 =	vld [tilespmem:s25+$0x0];
	_ =	sdelay $0x3  }
0x9c: {  	s26 =	sor.u32 $0x1C60, s22  }
0x9d: {  	[tilespmem:$0x1FF90] =	vst v3;
	v3 =	vld [tilespmem:s26+$0x0];
	_ =	sdelay $0x3  }
0x9e: {  	s28 =	sor.u32 $0x1C70, s22  }
0x9f: {  	p0 =	seq.s32 s16, $0x2;
	s17 =	sshll.u32 s16, $0x10;
	[tilespmem:$0x1FFC0] =	vst v3;
	v3 =	vld [tilespmem:s28+$0x0]  }
0xa0: {  	s19 =	sadd.s32 @!p0 s17, s6  }
0xa1: {  	v60 =	vmax.f32 v63, v60;
	s19 =	sshrl.u32 @!p0 s19, $0x3  }
0xa2: {  	v53 =	vmax.f32 v60, v53;
	s18 =	sadd.s32 @!p0 s2, s19;
	s19 =	simm.s32 @!p0 $0x0  }
0xa3: {  	v47 =	vmax.f32 v53, v47;
	[tilespmem:s19], [sflag:$0x1] =	stream.linear.gather @!p0 [hbm4b:s18+s19], $0x8000, $0x38;
	[tilespmem:$0x10080] =	vst v63  }
0xa4: {  	v41 =	vmax.f32 v47, v41;
	[tilespmem:$0x1FFF0] =	vst v3  }
0xa5: {  	v58 =	vmax.f32 v62, v58;
	v31 =	vmax.f32 v41, v31;
	_ =	swait.ge [sflag:s12], $0x8000  }
0xa6: {  	v52 =	vmax.f32 v58, v52;
	v19 =	vmax.f32 v31, v19;
	v31 =	vld [tilespmem:$0x1FEA0]  }
0xa7: {  	v46 =	vmax.f32 v52, v46  }
0xa8: {  	v40 =	vmax.f32 v46, v40  }
0xa9: {  	v30 =	vmax.f32 v40, v30  }
0xaa: {  	v0 =	vmax.f32 v0, v56;
	v17 =	vmax.f32 v30, v17  }
0xab: {  	v0 =	vmax.f32 v0, v51;
	v6 =	vmax.f32 v6, v59;
	v31 =	vmax.f32 v17, v31;
	v17 =	vld [tilespmem:$0x1FEB0]  }
0xac: {  	s29 =	simm.s32 $0x0;
	v0 =	vmax.f32 v0, v45;
	v6 =	vmax.f32 v6, v55;
	s18 =	simm.s32 $0x0  }
0xad: {  	v0 =	vmax.f32 v0, v39;
	v6 =	vmax.f32 v6, v38;
	s19 =	sand.u32 $0x6000, s29;
	s20 =	sand.u32 $0x380, s18;
	[sflag:s12] =	ssyncset.done $0x0  }
0xae: {  	v0 =	vmax.f32 v0, v29;
	v6 =	vmax.f32 v6, v27;
	s19 =	sor.u32 s20, s19;
	v27 =	vld [tilespmem:$0x1FEF0];
	[sflag:s12] =	ssyncadd.s32 $0xFFFF8000  }
0xaf: {  	v0 =	vmax.f32 v0, v15;
	[tilespmem:$0x1FF30] =	vst v1;
	v1 =	vld [tilespmem:s19+$0x8800]  }
0xb0: {  	v30 =	vmax.f32 v0, v61;
	v61 =	vmax.f32 v19, v17;
	v17 =	vld [tilespmem:$0x1FEC0]  }
0xb1: {  	v6 =	vmax.f32 v6, v16;
	v16 =	vld [tilespmem:$0x1FF00]  }
0xb2: {  	v3 =	vld [tilespmem:s19+$0x9800]  }
0xb3: {  	v22 =	vld [tilespmem:s19+$0x9820]  }
0xb4: {  	[tilespmem:$0x1FF10] =	vst v1;
	v1 =	vld [tilespmem:s19+$0x8810]  }
0xb5: {  	v4 =	vmax.f32 v4, v17;
	v17 =	vld [tilespmem:$0x1FED0]  }
0xb6: {  	v19 =	vld [tilespmem:$0x1FEE0]  }
0xb7: {  	v24 =	vld [tilespmem:s19+$0x9830]  }
0xb8: {  	v8 =	vmax.f32 v8, v57;
	v62 =	vld [tilespmem:s19+$0x8000]  }
0xb9: {  	v8 =	vmax.f32 v8, v54;
	v15 =	vld [tilespmem:s19+$0x8400]  }
0xba: {  	v8 =	vmax.f32 v8, v37;
	[tilespmem:$0x1FF20] =	vst v1;
	v1 =	vld [tilespmem:$0x1FF10];
	v4 =	vmax.f32 v4, v17  }
0xbb: {  	v8 =	vmax.f32 v8, v28;
	v26 =	vld [tilespmem:s19+$0x9840];
	v4 =	vmax.f32 v4, v19  }
0xbc: {  	v8 =	vmax.f32 v8, v18;
	v5 =	vld [tilespmem:s19+$0x9860];
	v4 =	vmax.f32 v4, v27  }
0xbd: {  	v6 =	vmax.f32 v6, v10;
	v63 =	vld [tilespmem:s19+$0x8010];
	v10 =	vmax.f32 v20, v62;
	v4 =	vmax.f32 v4, v16  }
0xbe: {  	v8 =	vmax.f32 v8, v11;
	v0 =	vld [tilespmem:s19+$0x8410];
	v4 =	vmax.f32 v4, v9;
	v9 =	vmax.f32 v10, v15  }
0xbf: {  	v2 =	vmax.f32 v8, v2;
	v8 =	vmax.f32 v9, v1;
	v1 =	vld [tilespmem:$0x1FF20]  }
0xc0: {  	v7 =	vld [tilespmem:s19+$0x9870]  }
0xc1: {  	v12 =	vld [tilespmem:s19+$0x9400]  }
0xc2: {  	v23 =	vld [tilespmem:s19+$0x9000];
	v16 =	vmax.f32 v21, v63  }
0xc3: {  	v32 =	vld [tilespmem:s19+$0x8C00];
	v0 =	vmax.f32 v16, v0  }
0xc4: {  	[tilespmem:$0x1FF60] =	vst v43;
	v0 =	vmax.f32 v0, v1;
	v1 =	vld [tilespmem:$0x1FF30]  }
0xc5: {  	v9 =	vld [tilespmem:$0x1FF60]  }
0xc6: {  	v34 =	vld [tilespmem:s19+$0x9420]  }
0xc7: {  	v50 =	vld [tilespmem:s19+$0x8C10];
	[tilespmem:$0x1FF70] =	vst v23  }
0xc8: {  	v23 =	vld [tilespmem:s19+$0x9010];
	[tilespmem:$0x1FF40] =	vst v32  }
0xc9: {  	v1 =	vmax.f32 v6, v1;
	v6 =	vld [tilespmem:$0x1FF40]  }
0xca: {  	v4 =	vmax.f32 v4, v9;
	v9 =	vld [tilespmem:$0x1FF70]  }
0xcb: {  	v35 =	vld [tilespmem:s19+$0x9430]  }
0xcc: {  	v36 =	vld [tilespmem:s19+$0x9440]  }
0xcd: {  	v13 =	vld [tilespmem:s19+$0x9460];
	[tilespmem:$0x1FF50] =	vst v50  }
0xce: {  	[tilespmem:$0x1FF80] =	vst v23;
	v6 =	vmax.f32 v8, v6;
	v8 =	vld [tilespmem:$0x1FF50]  }
0xcf: {  	v6 =	vmax.f32 v6, v9;
	v9 =	vld [tilespmem:$0x1FF80]  }
0xd0: {  	v14 =	vld [tilespmem:s19+$0x9470]  }
0xd1: {  	v42 =	vld [tilespmem:s19+$0x9020]  }
0xd2: {  	v43 =	vld [tilespmem:s19+$0x9030]  }
0xd3: {  	v44 =	vld [tilespmem:s19+$0x9040];
	v0 =	vmax.f32 v0, v8  }
0xd4: {  	v9 =	vmax.f32 v0, v9;
	v0 =	vld [tilespmem:$0x1FF90]  }
0xd5: {  	v25 =	vld [tilespmem:s19+$0x9060]  }
0xd6: {  	v48 =	vld [tilespmem:s19+$0x8C20]  }
0xd7: {  	v49 =	vld [tilespmem:s19+$0x8C30]  }
0xd8: {  	[tilespmem:$0x1FFA0] =	vst v12;
	v12 =	vld [tilespmem:s19+$0x9410]  }
0xd9: {  	v0 =	vmax.f32 v2, v0;
	v2 =	vld [tilespmem:$0x1FFA0]  }
0xda: {  	v33 =	vld [tilespmem:s19+$0x8C60]  }
0xdb: {  	v56 =	vld [tilespmem:s19+$0x8820]  }
0xdc: {  	v51 =	vld [tilespmem:s19+$0x8830]  }
0xdd: {  	v45 =	vld [tilespmem:s19+$0x8840];
	[tilespmem:$0x1FFB0] =	vst v12  }
0xde: {  	v2 =	vmax.f32 v6, v2;
	v6 =	vld [tilespmem:$0x1FFB0]  }
0xdf: {  	v39 =	vld [tilespmem:s19+$0x8850]  }
0xe0: {  	s30 =	sand.u32 $0x7, s18;
	v29 =	vld [tilespmem:s19+$0x8860]  }
0xe1: {  	s20 =	sshll.u32 s30, $0x7;
	v18 =	vld [tilespmem:s19+$0x8440]  }
0xe2: {  	s23 =	sadd.s32 $0x0, s20;
	v11 =	vld [tilespmem:s19+$0x8020]  }
0xe3: {  	s31 =	sor.u32 $0x1C10, s23;
	v6 =	vmax.f32 v9, v6;
	v9 =	vld [tilespmem:$0x1FFC0]  }
0xe4: {  	v28 =	vld [tilespmem:s31+$0x8000]  }
0xe5: {  	[tilespmem:$0x1FFD0] =	vst v3;
	v3 =	vld [tilespmem:s19+$0x9810]  }
0xe6: {  	v50 =	vld [tilespmem:s19+$0x8C40]  }
0xe7: {  	v32 =	vld [tilespmem:s19+$0x8C50]  }
0xe8: {  	s20 =	sor.u32 $0x1C00, s23;
	v1 =	vmax.f32 v1, v9;
	v9 =	vld [tilespmem:$0x1FFD0]  }
0xe9: {  	v20 =	vld [tilespmem:s20+$0x8000]  }
0xea: {  	[tilespmem:$0x1FFE0] =	vst v3;
	v3 =	vld [tilespmem:s19+$0x9850]  }
0xeb: {  	v12 =	vld [tilespmem:s19+$0x9450]  }
0xec: {  	v23 =	vld [tilespmem:s19+$0x9050]  }
0xed: {  	v21 =	vmax.f32 v2, v9;
	v2 =	vld [tilespmem:$0x1FFE0]  }
0xee: {  	v17 =	vld [tilespmem:s19+$0x8420]  }
0xef: {  	v19 =	vld [tilespmem:s19+$0x8430]  }
0xf0: {  	v27 =	vld [tilespmem:s19+$0x8030]  }
0xf1: {  	v8 =	vld [tilespmem:s19+$0x8040]  }
0xf2: {  	v6 =	vmax.f32 v6, v2;
	v2 =	vld [tilespmem:$0x1FFF0]  }
0xf3: {  	v10 =	vld [tilespmem:s19+$0x8450]  }
0xf4: {  	v15 =	vld [tilespmem:s19+$0x8460]  }
0xf5: {  	v16 =	vld [tilespmem:s19+$0x8050]  }
0xf6: {  	s22 =	simm.s32 $0x0;
	s21 =	sor.u32 $0x1C20, s23;
	v11 =	vmax.f32 v30, v11;
	v8 =	vmax.f32 v61, v8;
	v9 =	vld [tilespmem:s19+$0x8060];
	v21 =	vmax.f32 v21, v20  }
0xf7: {  	s24 =	sor.u32 $0x1C30, s23;
	s20 =	simm.s32 $0xFFFF8000;
	v20 =	vmax.f32 v6, v28;
	v6 =	vmax.f32 v31, v27;
	v2 =	vmax.f32 v4, v2;
	v4 =	vld [tilespmem:s21+$0x8000];
	s21 =	simm.s32 $0x80  }
.LBB2_5:
0xf8: {  	p1 =	sne.s32 s21, $0xF80;
	v11 =	vmax.f32 v11, v17;
	v6 =	vmax.f32 v6, v19;
	v8 =	vmax.f32 v8, v18;
	v17 =	vld [tilespmem:s24+$0x8000];
	s24 =	sor.u32 $0x1C40, s23  }
0xf9: {  	v11 =	vmax.f32 v11, v56;
	v6 =	vmax.f32 v6, v51;
	v8 =	vmax.f32 v8, v45;
	v18 =	vld [tilespmem:s24+$0x8000]  }
0xfa: {  	v19 =	vld [tilespmem:s19+$0x8070];
	v11 =	vmax.f32 v11, v48;
	v6 =	vmax.f32 v6, v49;
	v8 =	vmax.f32 v8, v50  }
0xfb: {  	v27 =	vld [tilespmem:s19+$0x8470];
	v11 =	vmax.f32 v11, v42;
	v6 =	vmax.f32 v6, v43;
	v8 =	vmax.f32 v8, v44  }
0xfc: {  	v28 =	vld [tilespmem:s19+$0x8870];
	v11 =	vmax.f32 v11, v34;
	v6 =	vmax.f32 v6, v35;
	v8 =	vmax.f32 v8, v36  }
0xfd: {  	v30 =	vld [tilespmem:s19+$0x8C70];
	v11 =	vmax.f32 v11, v22;
	v6 =	vmax.f32 v6, v24;
	v8 =	vmax.f32 v8, v26  }
0xfe: {  	s20 =	sadd.s32 $0x400, s20;
	v22 =	vld [tilespmem:s19+$0x9070];
	v4 =	vmax.f32 v11, v4;
	v6 =	vmax.f32 v6, v17;
	v8 =	vmax.f32 v8, v18;
	s19 =	sor.u32 $0x1C50, s23  }
0xff: {  	s24 =	sadd.s32 $0x8000, s20;
	v0 =	vmax.f32 v0, v16;
	v1 =	vmax.f32 v1, v9;
	v2 =	vmax.f32 v2, v19;
	v16 =	vld [tilespmem:s19+$0x8000];
	s19 =	sor.u32 $0x1C60, s23  }
0x100: {  	s25 =	sand.u32 $0x380, s21;
	s24 =	sand.u32 $0x6000, s24;
	v0 =	vmax.f32 v0, v10;
	v1 =	vmax.f32 v1, v15;
	s23 =	sor.u32 $0x1C70, s23;
	v2 =	vmax.f32 v2, v27;
	v10 =	vld [tilespmem:s19+$0x8000]  }
0x101: {  	v0 =	vmax.f32 v0, v39;
	v1 =	vmax.f32 v1, v29;
	s19 =	sor.u32 s25, s24;
	v2 =	vmax.f32 v2, v28;
	v15 =	vld [tilespmem:s23+$0x8000]  }
0x102: {  	v0 =	vmax.f32 v0, v32;
	v1 =	vmax.f32 v1, v33;
	v9 =	vld [tilespmem:s19+$0x9800];
	v2 =	vmax.f32 v2, v30  }
0x103: {  	v0 =	vmax.f32 v0, v23;
	v1 =	vmax.f32 v1, v25;
	v11 =	vld [tilespmem:s19+$0x9810];
	v2 =	vmax.f32 v2, v22  }
0x104: {  	v0 =	vmax.f32 v0, v12;
	v1 =	vmax.f32 v1, v13;
	v22 =	vld [tilespmem:s19+$0x9820];
	v2 =	vmax.f32 v2, v14  }
0x105: {  	v0 =	vmax.f32 v0, v3;
	v1 =	vmax.f32 v1, v5;
	v24 =	vld [tilespmem:s19+$0x9830];
	v2 =	vmax.f32 v2, v7  }
0x106: {  	v0 =	vmax.f32 v0, v16;
	v1 =	vmax.f32 v1, v10;
	v26 =	vld [tilespmem:s19+$0x9840];
	v2 =	vmax.f32 v2, v15  }
0x107: {  	v3 =	vld [tilespmem:s19+$0x9850]  }
0x108: {  	v5 =	vld [tilespmem:s19+$0x9860]  }
0x109: {  	v7 =	vld [tilespmem:s19+$0x9870]  }
0x10a: {  	v16 =	vld [tilespmem:s19+$0x9400]  }
0x10b: {  	v27 =	vld [tilespmem:s19+$0x9410]  }
0x10c: {  	v34 =	vld [tilespmem:s19+$0x9420]  }
0x10d: {  	v35 =	vld [tilespmem:s19+$0x9430]  }
0x10e: {  	v36 =	vld [tilespmem:s19+$0x9440]  }
0x10f: {  	v12 =	vld [tilespmem:s19+$0x9450]  }
0x110: {  	v13 =	vld [tilespmem:s19+$0x9460]  }
0x111: {  	v14 =	vld [tilespmem:s19+$0x9470]  }
0x112: {  	v15 =	vld [tilespmem:s19+$0x9000]  }
0x113: {  	v28 =	vld [tilespmem:s19+$0x9010]  }
0x114: {  	v42 =	vld [tilespmem:s19+$0x9020]  }
0x115: {  	v43 =	vld [tilespmem:s19+$0x9030]  }
0x116: {  	v44 =	vld [tilespmem:s19+$0x9040]  }
0x117: {  	v23 =	vld [tilespmem:s19+$0x9050]  }
0x118: {  	v25 =	vld [tilespmem:s19+$0x9060]  }
0x119: {  	v10 =	vld [tilespmem:s19+$0x8C00]  }
0x11a: {  	v30 =	vld [tilespmem:s19+$0x8C10]  }
0x11b: {  	v48 =	vld [tilespmem:s19+$0x8C20]  }
0x11c: {  	v49 =	vld [tilespmem:s19+$0x8C30]  }
0x11d: {  	v50 =	vld [tilespmem:s19+$0x8C40]  }
0x11e: {  	v32 =	vld [tilespmem:s19+$0x8C50]  }
0x11f: {  	v33 =	vld [tilespmem:s19+$0x8C60]  }
0x120: {  	v31 =	vld [tilespmem:s19+$0x8800]  }
0x121: {  	v37 =	vld [tilespmem:s19+$0x8810]  }
0x122: {  	v56 =	vld [tilespmem:s19+$0x8820]  }
0x123: {  	v51 =	vld [tilespmem:s19+$0x8830]  }
0x124: {  	v45 =	vld [tilespmem:s19+$0x8840]  }
0x125: {  	v39 =	vld [tilespmem:s19+$0x8850]  }
0x126: {  	v29 =	vld [tilespmem:s19+$0x8860]  }
0x127: {  	v38 =	vld [tilespmem:s19+$0x8400]  }
0x128: {  	v40 =	vld [tilespmem:s19+$0x8410]  }
0x129: {  	v41 =	vld [tilespmem:s19+$0x8000]  }
0x12a: {  	v46 =	vld [tilespmem:s19+$0x8010]  }
0x12b: {  	s18 =	sadd.s32 $0x1, s18;
	v17 =	vld [tilespmem:s19+$0x8420]  }
0x12c: {  	s23 =	sand.u32 $0x7, s18;
	v19 =	vld [tilespmem:s19+$0x8430]  }
0x12d: {  	s22 =	sadd.s32 $0x400, s22;
	s23 =	sshll.u32 s23, $0x7;
	v18 =	vld [tilespmem:s19+$0x8440]  }
0x12e: {  	s23 =	sadd.s32 s23, s22;
	v47 =	vld [tilespmem:s19+$0x8020]  }
0x12f: {  	s24 =	sor.u32 $0x1C00, s23;
	v21 =	vmax.f32 v21, v41;
	v20 =	vmax.f32 v20, v46;
	v41 =	vld [tilespmem:s19+$0x8030]  }
0x130: {  	v21 =	vmax.f32 v21, v38;
	v20 =	vmax.f32 v20, v40;
	v38 =	vld [tilespmem:s24+$0x8000];
	s24 =	sor.u32 $0x1C10, s23  }
0x131: {  	v21 =	vmax.f32 v21, v31;
	v20 =	vmax.f32 v20, v37;
	v31 =	vld [tilespmem:s24+$0x8000]  }
0x132: {  	v21 =	vmax.f32 v21, v10;
	v37 =	vld [tilespmem:s19+$0x8040];
	v20 =	vmax.f32 v20, v30  }
.Ltmp3:
0x133: {  	v21 =	vmax.f32 v21, v15;
	v10 =	vld [tilespmem:s19+$0x8450];
	v20 =	vmax.f32 v20, v28;
	(pc) =	sbr.rel @p1 .LBB2_5-.Ltmp3, $4  }
0x134: {  	v21 =	vmax.f32 v21, v16;
	v15 =	vld [tilespmem:s19+$0x8460];
	v20 =	vmax.f32 v20, v27  }
0x135: {  	v21 =	vmax.f32 v21, v9;
	v16 =	vld [tilespmem:s19+$0x8050];
	v11 =	vmax.f32 v20, v11  }
0x136: {  	s24 =	sor.u32 $0x1C20, s23;
	v21 =	vmax.f32 v21, v38;
	v9 =	vld [tilespmem:s19+$0x8060];
	v20 =	vmax.f32 v11, v31  }
0x137: {  	s21 =	sadd.s32 $0x80, s21;
	v6 =	vmax.f32 v6, v41;
	v11 =	vmax.f32 v4, v47;
	v8 =	vmax.f32 v8, v37;
	v4 =	vld [tilespmem:s24+$0x8000];
	s24 =	sor.u32 $0x1C30, s23  }
0x138: {  	v11 =	vmax.f32 v11, v17;
	v6 =	vmax.f32 v6, v19;
	v8 =	vmax.f32 v8, v18;
	v63 =	vld [tilespmem:s24+$0x8000]  }
0x139: {  	v19 =	vld [tilespmem:s19+$0x8070];
	v11 =	vmax.f32 v11, v56;
	v6 =	vmax.f32 v6, v51;
	v8 =	vmax.f32 v8, v45  }
0x13a: {  	v27 =	vld [tilespmem:s19+$0x8470];
	v11 =	vmax.f32 v11, v48;
	v6 =	vmax.f32 v6, v49;
	v8 =	vmax.f32 v8, v50  }
0x13b: {  	v28 =	vld [tilespmem:s19+$0x8870];
	v0 =	vmax.f32 v0, v16;
	v11 =	vmax.f32 v11, v42;
	v6 =	vmax.f32 v6, v43  }
0x13c: {  	s18 =	sor.u32 $0x1C40, s23;
	v30 =	vld [tilespmem:s19+$0x8C70];
	v8 =	vmax.f32 v8, v44;
	v1 =	vmax.f32 v1, v9;
	v0 =	vmax.f32 v0, v10  }
0x13d: {  	v18 =	vld [tilespmem:s18+$0x8000];
	v11 =	vmax.f32 v11, v34;
	v6 =	vmax.f32 v6, v35;
	v8 =	vmax.f32 v8, v36  }
0x13e: {  	v31 =	vld [tilespmem:s19+$0x9070];
	s31 =	sor.u32 $0x1C70, s23;
	v1 =	vmax.f32 v1, v15;
	v0 =	vmax.f32 v0, v39;
	v11 =	vmax.f32 v11, v22  }
0x13f: {  	s29 =	sor.u32 $0x1C50, s23;
	v9 =	vld [tilespmem:s31+$0x8000];
	v6 =	vmax.f32 v6, v24;
	v8 =	vmax.f32 v8, v26;
	v2 =	vmax.f32 v2, v19  }
0x140: {  	s30 =	sor.u32 $0x1C60, s23;
	v1 =	vmax.f32 v1, v29;
	v26 =	vmax.f32 v11, v4;
	v4 =	vld [tilespmem:s29+$0x8000];
	v2 =	vmax.f32 v2, v27  }
0x141: {  	v0 =	vmax.f32 v0, v32;
	v24 =	vmax.f32 v6, v63;
	v6 =	vld [tilespmem:s30+$0x8000];
	v2 =	vmax.f32 v2, v28  }
.Ltmp4:
0x142: {  	v22 =	vmax.f32 v8, v18;
	v1 =	vmax.f32 v1, v33;
	v2 =	vmax.f32 v2, v30;
	(pc) =	sbr.rel @p0 .LBB2_8-.Ltmp4, $4  }
0x143: {  	v0 =	vmax.f32 v0, v23;
	v1 =	vmax.f32 v1, v25;
	v2 =	vmax.f32 v2, v31  }
0x144: {  	v0 =	vmax.f32 v0, v12;
	v1 =	vmax.f32 v1, v13;
	v2 =	vmax.f32 v2, v14  }
0x145: {  	v0 =	vmax.f32 v0, v3;
	v1 =	vmax.f32 v1, v5;
	v2 =	vmax.f32 v2, v7  }
0x146: {  	v8 =	vmax.f32 v0, v4;
	v6 =	vmax.f32 v1, v6;
	v4 =	vmax.f32 v2, v9  }
.Ltmp5:
0x147: {  	(pc) =	sbr.rel .LBB2_2-.Ltmp5, $4  }
0x148: {  	s17 =	sadd.s32 s17, s7  }
0x149: {  	s17 =	sshrl.u32 s17, $0x3  }
0x14a: {  	s16 =	sadd.s32 $0x1, s16;
	s17 =	sadd.s32 s2, s17  }
0x14b: {  	[tilespmem:s10], [sflag:$0x2] =	stream.linear.gather [hbm4b:s17+s3], $0x8000, $0x38;
	[tilespmem:$0x10080] =	vst v63  }
.LBB2_9:
0x14c: {  	_ =	sfence.sel $0x180000  }
0x14d: {  	[bflag:$0x0] =	sbarrier.arrive $0xFFFF  }
0x14e: {  	p0 =	sne.s32 s1, $0x0;
	_ =	strace $0x90000047  }
0x14f: {  	s0 =	sadd.s32 @!p0 $0x100000, s0;
	[bflag:$0x2] =	sbarrier.arrive $0xFFFF  }
0x150: {  	[sflag:s0] =	ssyncadd.tile.s32 @!p0 $0x1;
	_ =	shalt  }
.Lfunc_end2:
_tile_overlayer_lowered:
.L_overlay_start_2:
0x151: {  	(tag) =	ssettag $0x2  }
0x152: {  	s0 =	rddreg [dreg:$0x0];
	s2 =	stileid.u32  }
0x153: {  	s1 =	rddreg [dreg:$0x1];
	p0 =	sne.s32 s2, $0x0  }
0x154: {  	s3 =	rddreg [dreg:$0x2];
	[bflag:$0x3] =	sbarrier.arrive $0xFFFF;
	s2 =	simm.s32 @!p0 $0x1C03  }
0x155: {  	[timem:s3], [sflag:s2] =	dma.local @!p0 [hbm:s0], s1  }
0x156: {  	s0 =	simm.s32 @!p0 $0x3  }
0x157: {  	_ =	swait.ge @!p0 [sflag:s0], s1  }
0x158: {  	s1 =	ssub.s32 @!p0 $0x0, s1;
	[sflag:s0] =	ssyncset.done @!p0 $0x0  }
0x159: {  	[sflag:s0] =	ssyncadd.s32 @!p0 s1  }
0x15a: {  	[bflag:$0x3] =	sbarrier.arrive $0xFFFF  }
0x15b: {  	_ =	shalt  }

</sc_bundles>
